<compile_context>
chip_gen: v7x
topology: tpu7x:2x2x1
jax: 0.10.2.dev20260603
libtpu: 0.0.44.dev20260713+nightly
codegen_flags: <defaults>
</compile_context>

<pallas_src>
import functools

import jax
import jax.numpy as jnp
from jax import lax
from jax.experimental import pallas as pl
from jax.experimental.pallas import tpu as pltpu
from jax.experimental.pallas import tpu_sc as plsc

_NC = 2
_NS = 16
_NW = _NC * _NS
_K = 80
_NBUF = 3


def _sc_segment_sum(N, E, D):
    ept = E // _NW
    nchunk = ept // _K
    rpt = N // _NS
    nzero = rpt // _K
    rzero = rpt - nzero * _K
    wchunk = (N // _NS) & ~7
    dtail = N - _NS * wchunk
    assert nchunk >= _NBUF

    mesh = plsc.VectorSubcoreMesh(core_axis_name="c", subcore_axis_name="s")

    @functools.partial(
        pl.kernel,
        mesh=mesh,
        compiler_params=pltpu.CompilerParams(use_tc_tiling_on_sc=False),
        out_type=[
            jax.ShapeDtypeStruct((_NC, N, D), jnp.float32),
            jax.ShapeDtypeStruct((_NC, N), jnp.float32),
        ],
        scratch_types=[
            pltpu.VMEM((nchunk, _K), jnp.int32),
            [pltpu.VMEM((_K,), jnp.int32)] * _NBUF,
            [pltpu.VMEM((_K,), jnp.int32)] * _NBUF,
            [pltpu.VMEM((_K, D), jnp.float32)] * _NBUF,
            pltpu.VMEM((_K,), jnp.float32),
            pltpu.VMEM((wchunk + 16,), jnp.float32),
            [pltpu.SemaphoreType.DMA] * _NBUF,
            [pltpu.SemaphoreType.DMA] * _NBUF,
            pltpu.SemaphoreType.DMA,
            pltpu.VMEM_SHARED((N, D), jnp.float32),
            pltpu.VMEM_SHARED((N,), jnp.float32),
        ],
    )
    def sc(hn_hbm, sd_hbm, out_hbm, deg_hbm,
           sd_v, src_r, dst_r, bufs, ones_v, zdeg_v,
           gsems, ssems, zsem, acc_sh, deg_sh):
        c = lax.axis_index("c")
        s = lax.axis_index("s")
        wid = c * _NS + s

        zero16 = jnp.zeros((16,), jnp.float32)
        mask16 = jnp.full((16,), 0xFFFF, jnp.int32)
        sh16 = jnp.full((16,), 16, jnp.int32)

        pltpu.async_copy(sd_hbm.at[wid], sd_v, gsems[0])

        def zrow(i, carry):
            for j in range(D // 16):
                bufs[0][i, pl.ds(j * 16, 16)] = zero16
            return carry
        lax.fori_loop(0, _K, zrow, 0)

        for i in range(_K // 16):
            ones_v[pl.ds(i * 16, 16)] = jnp.ones((16,), jnp.float32)

        def zdeg(i, carry):
            zdeg_v[pl.ds(i * 16, 16)] = zero16
            return carry
        lax.fori_loop(0, (wchunk + 16) // 16, zdeg, 0)

        base_r = s * rpt
        for q in range(nzero):
            pltpu.async_copy(bufs[0], acc_sh.at[pl.ds(base_r + q * _K, _K)],
                             zsem)
        if rzero:
            pltpu.async_copy(bufs[0].at[pl.ds(0, rzero)],
                             acc_sh.at[pl.ds(base_r + nzero * _K, rzero)],
                             zsem)

        wbase = s * wchunk
        pltpu.sync_copy(zdeg_v.at[pl.ds(0, wchunk)],
                        deg_sh.at[pl.ds(wbase, wchunk)])

        @pl.when(s == _NS - 1)
        def _():
            pltpu.sync_copy(zdeg_v.at[pl.ds(0, dtail)],
                            deg_sh.at[pl.ds(_NS * wchunk, dtail)])

        pltpu.make_async_copy(sd_hbm.at[wid], sd_v, gsems[0]).wait()

        def unpack(j, slot):
            for q in range(_K // 16):
                v = sd_v[j, pl.ds(q * 16, 16)]
                src_r[slot][pl.ds(q * 16, 16)] = lax.bitwise_and(v, mask16)
                dst_r[slot][pl.ds(q * 16, 16)] = \
                    lax.shift_right_logical(v, sh16)

        for q in range(nzero):
            pltpu.make_async_copy(bufs[0],
                                  acc_sh.at[pl.ds(base_r + q * _K, _K)],
                                  zsem).wait()
        if rzero:
            pltpu.make_async_copy(bufs[0].at[pl.ds(0, rzero)],
                                  acc_sh.at[pl.ds(base_r + nzero * _K,
                                                  rzero)],
                                  zsem).wait()

        def gstart(slot):
            pltpu.async_copy(hn_hbm.at[src_r[slot]], bufs[slot], gsems[slot])

        def gwait(slot):
            pltpu.make_async_copy(hn_hbm.at[src_r[slot]], bufs[slot],
                                  gsems[slot]).wait()

        def sstart(slot):
            pltpu.async_copy(bufs[slot], acc_sh.at[dst_r[slot]],
                             ssems[slot], add=True)
            pltpu.async_copy(ones_v, deg_sh.at[dst_r[slot]], ssems[slot],
                             add=True)

        def swait(slot):
            pltpu.make_async_copy(bufs[slot], acc_sh.at[dst_r[slot]],
                                  ssems[slot]).wait()
            pltpu.make_async_copy(ones_v, deg_sh.at[dst_r[slot]],
                                  ssems[slot]).wait()

        for slot in range(_NBUF):
            unpack(slot, slot)
            gstart(slot)

        plsc.subcore_barrier()

        ngroup = nchunk // _NBUF
        nrest = nchunk - ngroup * _NBUF

        def body(t, carry):
            j0 = _NBUF * t
            for slot in range(_NBUF):
                gwait(slot)
                sstart(slot)
            for slot in range(_NBUF):
                swait(slot)
                nj = j0 + _NBUF + slot

                @pl.when(nj < nchunk)
                def _():
                    unpack(nj, slot)
                    gstart(slot)
            return carry
        lax.fori_loop(0, ngroup, body, 0)

        for r in range(nrest):
            gwait(r)
            sstart(r)
        for r in range(nrest):
            swait(r)

        plsc.subcore_barrier()

        tail = _NS * wchunk
        pltpu.sync_copy(acc_sh.at[pl.ds(wbase, wchunk)],
                        out_hbm.at[c, pl.ds(wbase, wchunk)])

        @pl.when(s == _NS - 1)
        def _():
            pltpu.sync_copy(acc_sh.at[pl.ds(tail, N - tail)],
                            out_hbm.at[c, pl.ds(tail, N - tail)])

        @pl.when(s == 0)
        def _():
            pltpu.sync_copy(deg_sh, deg_hbm.at[c])

    return sc


def _tc_body(hs_ref, p_ref, d_ref, ws_ref, wn_ref, o_ref):
    d = d_ref[:, 0:1] + d_ref[:, 1:2]
    invd = 1.0 / jnp.maximum(d, 1.0)
    neigh = (p_ref[0] + p_ref[1]) * invd
    z = jnp.dot(hs_ref[...], ws_ref[...], preferred_element_type=jnp.float32)
    z = z + jnp.dot(neigh, wn_ref[...], preferred_element_type=jnp.float32)
    z = jnp.maximum(z, 0.0)
    n2 = jnp.sum(z * z, axis=1, keepdims=True)
    inv = jnp.where(n2 > 0.0, lax.rsqrt(n2), 1.0)
    o_ref[...] = z * inv


def kernel(h_neigh, h_self, edge_index, W_self, W_neigh):
    N, D = h_neigh.shape
    E = edge_index.shape[1]
    nchunk = E // (_NW * _K)

    ei = edge_index.astype(jnp.int32)
    packed = (ei[0] | (ei[1] << 16)).reshape(_NW, nchunk, _K)

    parts, degs = _sc_segment_sum(N, E, D)(h_neigh, packed)
    d01 = degs.T

    blk = 2000
    grid = (N // blk,)
    out = pl.pallas_call(
        _tc_body,
        grid=grid,
        in_specs=[
            pl.BlockSpec((blk, D), lambda i: (i, 0)),
            pl.BlockSpec((_NC, blk, D), lambda i: (0, i, 0)),
            pl.BlockSpec((blk, _NC), lambda i: (i, 0)),
            pl.BlockSpec((D, D), lambda i: (0, 0)),
            pl.BlockSpec((D, D), lambda i: (0, 0)),
        ],
        out_specs=pl.BlockSpec((blk, D), lambda i: (i, 0)),
        out_shape=jax.ShapeDtypeStruct((N, D), jnp.float32),
    )(h_self, parts, d01, W_self, W_neigh)
    return out

# --- scband reference (transcript-rebuilt; emitter-appended) ---
"""Pipeline reference for scband-conv-layer-55551107007158 (READ-ONLY COPY).

The authoritative reference and input builder live on the scoring server;
editing this copy changes nothing except your own understanding.
"""

import jax, jax.numpy as jnp
import numpy as np

N = 10000
E = 320000
D_IN = 128
D_OUT = 128


def setup_inputs(seed: int = 0) -> dict:
    key = jax.random.key(seed)
    k1, k2, k3, k4, k5 = jax.random.split(key, 5)
    h_neigh = jax.random.normal(k1, (N, D_IN), dtype=jnp.float32)
    h_self = jax.random.normal(k2, (N, D_IN), dtype=jnp.float32)
    edge_index = jax.random.randint(k3, (2, E), 0, N, dtype=jnp.int32).astype(jnp.int64)
    # xavier_uniform with relu gain for Linear(D_IN, D_OUT, bias=False)
    gain = float(np.sqrt(2.0))
    bound = gain * np.sqrt(6.0 / (D_IN + D_OUT))
    W_self = jax.random.uniform(k4, (D_IN, D_OUT), dtype=jnp.float32, minval=-bound, maxval=bound)
    W_neigh = jax.random.uniform(k5, (D_IN, D_OUT), dtype=jnp.float32, minval=-bound, maxval=bound)
    return {
        "h_neigh": h_neigh,
        "h_self": h_self,
        "edge_index": edge_index,
        "W_self": W_self,
        "W_neigh": W_neigh,
    }


def reference(h_neigh, h_self, edge_index, W_self, W_neigh):
    # dropout p=0.0 -> identity
    src = edge_index[0]
    dst = edge_index[1]
    # copy_src('h','m') then mean('m','neigh'): mean of incoming source features per dst node
    msgs = jnp.take(h_neigh, src, axis=0)                      # gather [E, D_IN]
    summed = jax.ops.segment_sum(msgs, dst, num_segments=N)    # scatter-add [N, D_IN]
    deg = jax.ops.segment_sum(jnp.ones((E,), jnp.float32), dst, num_segments=N)
    neigh = summed / jnp.clip(deg, 1.0, None)[:, None]         # isolated nodes -> 0
    z = h_self @ W_self + neigh @ W_neigh
    z = jax.nn.relu(z)
    # norm=True branch: L2 row normalization with zero-norm guard
    z_norm = jnp.linalg.norm(z, ord=2, axis=1, keepdims=True)
    z_norm = jnp.where(z_norm == 0, jnp.array(1.0, dtype=z_norm.dtype), z_norm)
    z = z / z_norm
    return z

if __name__ == "__main__":
    import jax
    _d = setup_inputs()
    print(jax.jit(kernel)(*tuple(_d.values())))

</pallas_src>

<mosaic_0001>
#map = affine_map<(d0, d1) -> (0, 0)>
#map1 = affine_map<(d0, d1) -> (0, 0, 0)>
module attributes {stable_mosaic.version = 14 : i64} {
  func.func @sc(%arg0: i32, %arg1: i32, %arg2: memref<10000x128xf32, #tpu.memory_space<hbm>>, %arg3: memref<32x125x80xi32, #tpu.memory_space<hbm>>, %arg4: memref<2x10000x128xf32, #tpu.memory_space<hbm>>, %arg5: memref<2x10000xf32, #tpu.memory_space<hbm>>, %arg6: memref<125x80xi32, #tpu.memory_space<vmem>>, %arg7: memref<80xi32, #tpu.memory_space<vmem>>, %arg8: memref<80xi32, #tpu.memory_space<vmem>>, %arg9: memref<80xi32, #tpu.memory_space<vmem>>, %arg10: memref<80xi32, #tpu.memory_space<vmem>>, %arg11: memref<80xi32, #tpu.memory_space<vmem>>, %arg12: memref<80xi32, #tpu.memory_space<vmem>>, %arg13: memref<80x128xf32, #tpu.memory_space<vmem>>, %arg14: memref<80x128xf32, #tpu.memory_space<vmem>>, %arg15: memref<80x128xf32, #tpu.memory_space<vmem>>, %arg16: memref<80xf32, #tpu.memory_space<vmem>>, %arg17: memref<640xf32, #tpu.memory_space<vmem>>, %arg18: memref<!tpu.dma_semaphore, #tpu.memory_space<semaphore_mem>>, %arg19: memref<!tpu.dma_semaphore, #tpu.memory_space<semaphore_mem>>, %arg20: memref<!tpu.dma_semaphore, #tpu.memory_space<semaphore_mem>>, %arg21: memref<!tpu.dma_semaphore, #tpu.memory_space<semaphore_mem>>, %arg22: memref<!tpu.dma_semaphore, #tpu.memory_space<semaphore_mem>>, %arg23: memref<!tpu.dma_semaphore, #tpu.memory_space<semaphore_mem>>, %arg24: memref<!tpu.dma_semaphore, #tpu.memory_space<semaphore_mem>>, %arg25: memref<10000x128xf32, #tpu.memory_space<vmem_shared>>, %arg26: memref<10000xf32, #tpu.memory_space<vmem_shared>>) attributes {dimension_semantics = [#tpu.dimension_semantics<core_parallel>, #tpu.dimension_semantics<subcore_parallel>], iteration_bounds = array<i64: 2, 16>, scalar_prefetch = 0 : i64, scratch_operands = 21 : i64, tpu.core_type = #tpu.core_type<sc_vector_subcore>, window_params = [{transform_indices = #map}, {transform_indices = #map1}, {transform_indices = #map1}, {transform_indices = #map}]} {
    %mul3A = arith.constant 16 : i32
    %mul3A_0 = arith.muli %arg0, %mul3A : i32
    %add3A = arith.addi %mul3A_0, %arg1 : i32
    %broadcast_in_dim3A = arith.constant 0.000000e+00 : f32
    %broadcast_in_dim3A_1 = vector.broadcast %broadcast_in_dim3A : f32 to vector<16xf32>
    %broadcast_in_dim3A_2 = arith.constant 65535 : i32
    %broadcast_in_dim3A_3 = vector.broadcast %broadcast_in_dim3A_2 : i32 to vector<16xi32>
    %broadcast_in_dim3A_4 = arith.constant 16 : i32
    %broadcast_in_dim3A_5 = vector.broadcast %broadcast_in_dim3A_4 : i32 to vector<16xi32>
    %dma_start3A = arith.constant 0 : i32
    %dma_start3A_6 = arith.constant 0 : i32
    %dma_start3A_7 = tpu.memref_slice %arg3[%add3A, %dma_start3A, %dma_start3A_6] : memref<32x125x80xi32, #tpu.memory_space<hbm>> -> memref<1x125x80xi32, #tpu.memory_space<hbm>>
    %dma_start3A_8 = tpu.memref_squeeze %dma_start3A_7 : memref<1x125x80xi32, #tpu.memory_space<hbm>> -> memref<125x80xi32, #tpu.memory_space<hbm>>
    %dma_start3A_9 = arith.constant 0 : i32
    %dma_start3A_10 = arith.constant 0 : i32
    %dma_start3A_11 = tpu.memref_slice %arg3[%add3A, %dma_start3A_9, %dma_start3A_10] : memref<32x125x80xi32, #tpu.memory_space<hbm>> -> memref<1x125x80xi32, #tpu.memory_space<hbm>>
    %dma_start3A_12 = tpu.memref_squeeze %dma_start3A_11 : memref<1x125x80xi32, #tpu.memory_space<hbm>> -> memref<125x80xi32, #tpu.memory_space<hbm>>
    tpu.enqueue_dma source(%dma_start3A_12 : memref<125x80xi32, #tpu.memory_space<hbm>>) target(%arg6 : memref<125x80xi32, #tpu.memory_space<vmem>>) target_semaphore(%arg18 : memref<!tpu.dma_semaphore, #tpu.memory_space<semaphore_mem>>)
    %scan3A = arith.constant 0 : i32
    %scan3A_13 = arith.constant 0 : i32
    %scan3A_14 = arith.constant 80 : i32
    %scan3A_15 = arith.addi %scan3A_13, %scan3A_14 : i32
    %scan3A_16 = arith.constant 1 : i32
    scf.for %scan3A_448 = %scan3A_13 to %scan3A_15 step %scan3A_16  : i32 {
      %swap3A_449 = arith.index_cast %scan3A_448 : i32 to index
      %swap3A_450 = arith.constant 0 : index
      %swap3A_451 = tpu.vector_load %arg13[%swap3A_449, %swap3A_450] {strides = array<i32>} : memref<80x128xf32, #tpu.memory_space<vmem>>, vector<1x16xf32>,
      %swap3A_452 = vector.shape_cast %swap3A_451 : vector<1x16xf32> to vector<16xf32>
      %swap3A_453 = vector.shape_cast %broadcast_in_dim3A_1 : vector<16xf32> to vector<1x16xf32>
      tpu.vector_store %arg13[%swap3A_449, %swap3A_450], %swap3A_453 {strides = array<i32>} : memref<80x128xf32, #tpu.memory_space<vmem>>, vector<1x16xf32>,
      %swap3A_454 = arith.index_cast %scan3A_448 : i32 to index
      %swap3A_455 = arith.constant 16 : index
      %swap3A_456 = tpu.vector_load %arg13[%swap3A_454, %swap3A_455] {strides = array<i32>} : memref<80x128xf32, #tpu.memory_space<vmem>>, vector<1x16xf32>,
      %swap3A_457 = vector.shape_cast %swap3A_456 : vector<1x16xf32> to vector<16xf32>
      %swap3A_458 = vector.shape_cast %broadcast_in_dim3A_1 : vector<16xf32> to vector<1x16xf32>
      tpu.vector_store %arg13[%swap3A_454, %swap3A_455], %swap3A_458 {strides = array<i32>} : memref<80x128xf32, #tpu.memory_space<vmem>>, vector<1x16xf32>,
      %swap3A_459 = arith.index_cast %scan3A_448 : i32 to index
      %swap3A_460 = arith.constant 32 : index
      %swap3A_461 = tpu.vector_load %arg13[%swap3A_459, %swap3A_460] {strides = array<i32>} : memref<80x128xf32, #tpu.memory_space<vmem>>, vector<1x16xf32>,
      %swap3A_462 = vector.shape_cast %swap3A_461 : vector<1x16xf32> to vector<16xf32>
      %swap3A_463 = vector.shape_cast %broadcast_in_dim3A_1 : vector<16xf32> to vector<1x16xf32>
      tpu.vector_store %arg13[%swap3A_459, %swap3A_460], %swap3A_463 {strides = array<i32>} : memref<80x128xf32, #tpu.memory_space<vmem>>, vector<1x16xf32>,
      %swap3A_464 = arith.index_cast %scan3A_448 : i32 to index
      %swap3A_465 = arith.constant 48 : index
      %swap3A_466 = tpu.vector_load %arg13[%swap3A_464, %swap3A_465] {strides = array<i32>} : memref<80x128xf32, #tpu.memory_space<vmem>>, vector<1x16xf32>,
      %swap3A_467 = vector.shape_cast %swap3A_466 : vector<1x16xf32> to vector<16xf32>
      %swap3A_468 = vector.shape_cast %broadcast_in_dim3A_1 : vector<16xf32> to vector<1x16xf32>
      tpu.vector_store %arg13[%swap3A_464, %swap3A_465], %swap3A_468 {strides = array<i32>} : memref<80x128xf32, #tpu.memory_space<vmem>>, vector<1x16xf32>,
      %swap3A_469 = arith.index_cast %scan3A_448 : i32 to index
      %swap3A_470 = arith.constant 64 : index
      %swap3A_471 = tpu.vector_load %arg13[%swap3A_469, %swap3A_470] {strides = array<i32>} : memref<80x128xf32, #tpu.memory_space<vmem>>, vector<1x16xf32>,
      %swap3A_472 = vector.shape_cast %swap3A_471 : vector<1x16xf32> to vector<16xf32>
      %swap3A_473 = vector.shape_cast %broadcast_in_dim3A_1 : vector<16xf32> to vector<1x16xf32>
      tpu.vector_store %arg13[%swap3A_469, %swap3A_470], %swap3A_473 {strides = array<i32>} : memref<80x128xf32, #tpu.memory_space<vmem>>, vector<1x16xf32>,
      %swap3A_474 = arith.index_cast %scan3A_448 : i32 to index
      %swap3A_475 = arith.constant 80 : index
      %swap3A_476 = tpu.vector_load %arg13[%swap3A_474, %swap3A_475] {strides = array<i32>} : memref<80x128xf32, #tpu.memory_space<vmem>>, vector<1x16xf32>,
      %swap3A_477 = vector.shape_cast %swap3A_476 : vector<1x16xf32> to vector<16xf32>
      %swap3A_478 = vector.shape_cast %broadcast_in_dim3A_1 : vector<16xf32> to vector<1x16xf32>
      tpu.vector_store %arg13[%swap3A_474, %swap3A_475], %swap3A_478 {strides = array<i32>} : memref<80x128xf32, #tpu.memory_space<vmem>>, vector<1x16xf32>,
      %swap3A_479 = arith.index_cast %scan3A_448 : i32 to index
      %swap3A_480 = arith.constant 96 : index
      %swap3A_481 = tpu.vector_load %arg13[%swap3A_479, %swap3A_480] {strides = array<i32>} : memref<80x128xf32, #tpu.memory_space<vmem>>, vector<1x16xf32>,
      %swap3A_482 = vector.shape_cast %swap3A_481 : vector<1x16xf32> to vector<16xf32>
      %swap3A_483 = vector.shape_cast %broadcast_in_dim3A_1 : vector<16xf32> to vector<1x16xf32>
      tpu.vector_store %arg13[%swap3A_479, %swap3A_480], %swap3A_483 {strides = array<i32>} : memref<80x128xf32, #tpu.memory_space<vmem>>, vector<1x16xf32>,
      %swap3A_484 = arith.index_cast %scan3A_448 : i32 to index
      %swap3A_485 = arith.constant 112 : index
      %swap3A_486 = tpu.vector_load %arg13[%swap3A_484, %swap3A_485] {strides = array<i32>} : memref<80x128xf32, #tpu.memory_space<vmem>>, vector<1x16xf32>,
      %swap3A_487 = vector.shape_cast %swap3A_486 : vector<1x16xf32> to vector<16xf32>
      %swap3A_488 = vector.shape_cast %broadcast_in_dim3A_1 : vector<16xf32> to vector<1x16xf32>
      tpu.vector_store %arg13[%swap3A_484, %swap3A_485], %swap3A_488 {strides = array<i32>} : memref<80x128xf32, #tpu.memory_space<vmem>>, vector<1x16xf32>,
    }
    %scan3A_17 = arith.constant 80 : i32
    %broadcast_in_dim3A_18 = arith.constant 1.000000e+00 : f32
    %broadcast_in_dim3A_19 = vector.broadcast %broadcast_in_dim3A_18 : f32 to vector<16xf32>
    %swap3A = arith.constant 0 : index
    %swap3A_20 = tpu.vector_load %arg16[%swap3A] {strides = array<i32>} : memref<80xf32, #tpu.memory_space<vmem>>, vector<16xf32>,
    %swap3A_21 = vector.shape_cast %swap3A_20 : vector<16xf32> to vector<16xf32>
    %swap3A_22 = vector.shape_cast %broadcast_in_dim3A_19 : vector<16xf32> to vector<16xf32>
    tpu.vector_store %arg16[%swap3A], %swap3A_22 {strides = array<i32>} : memref<80xf32, #tpu.memory_space<vmem>>, vector<16xf32>,
    %broadcast_in_dim3A_23 = arith.constant 1.000000e+00 : f32
    %broadcast_in_dim3A_24 = vector.broadcast %broadcast_in_dim3A_23 : f32 to vector<16xf32>
    %swap3A_25 = arith.constant 16 : index
    %swap3A_26 = tpu.vector_load %arg16[%swap3A_25] {strides = array<i32>} : memref<80xf32, #tpu.memory_space<vmem>>, vector<16xf32>,
    %swap3A_27 = vector.shape_cast %swap3A_26 : vector<16xf32> to vector<16xf32>
    %swap3A_28 = vector.shape_cast %broadcast_in_dim3A_24 : vector<16xf32> to vector<16xf32>
    tpu.vector_store %arg16[%swap3A_25], %swap3A_28 {strides = array<i32>} : memref<80xf32, #tpu.memory_space<vmem>>, vector<16xf32>,
    %broadcast_in_dim3A_29 = arith.constant 1.000000e+00 : f32
    %broadcast_in_dim3A_30 = vector.broadcast %broadcast_in_dim3A_29 : f32 to vector<16xf32>
    %swap3A_31 = arith.constant 32 : index
    %swap3A_32 = tpu.vector_load %arg16[%swap3A_31] {strides = array<i32>} : memref<80xf32, #tpu.memory_space<vmem>>, vector<16xf32>,
    %swap3A_33 = vector.shape_cast %swap3A_32 : vector<16xf32> to vector<16xf32>
    %swap3A_34 = vector.shape_cast %broadcast_in_dim3A_30 : vector<16xf32> to vector<16xf32>
    tpu.vector_store %arg16[%swap3A_31], %swap3A_34 {strides = array<i32>} : memref<80xf32, #tpu.memory_space<vmem>>, vector<16xf32>,
    %broadcast_in_dim3A_35 = arith.constant 1.000000e+00 : f32
    %broadcast_in_dim3A_36 = vector.broadcast %broadcast_in_dim3A_35 : f32 to vector<16xf32>
    %swap3A_37 = arith.constant 48 : index
    %swap3A_38 = tpu.vector_load %arg16[%swap3A_37] {strides = array<i32>} : memref<80xf32, #tpu.memory_space<vmem>>, vector<16xf32>,
    %swap3A_39 = vector.shape_cast %swap3A_38 : vector<16xf32> to vector<16xf32>
    %swap3A_40 = vector.shape_cast %broadcast_in_dim3A_36 : vector<16xf32> to vector<16xf32>
    tpu.vector_store %arg16[%swap3A_37], %swap3A_40 {strides = array<i32>} : memref<80xf32, #tpu.memory_space<vmem>>, vector<16xf32>,
    %broadcast_in_dim3A_41 = arith.constant 1.000000e+00 : f32
    %broadcast_in_dim3A_42 = vector.broadcast %broadcast_in_dim3A_41 : f32 to vector<16xf32>
    %swap3A_43 = arith.constant 64 : index
    %swap3A_44 = tpu.vector_load %arg16[%swap3A_43] {strides = array<i32>} : memref<80xf32, #tpu.memory_space<vmem>>, vector<16xf32>,
    %swap3A_45 = vector.shape_cast %swap3A_44 : vector<16xf32> to vector<16xf32>
    %swap3A_46 = vector.shape_cast %broadcast_in_dim3A_42 : vector<16xf32> to vector<16xf32>
    tpu.vector_store %arg16[%swap3A_43], %swap3A_46 {strides = array<i32>} : memref<80xf32, #tpu.memory_space<vmem>>, vector<16xf32>,
    %scan3A_47 = arith.constant 0 : i32
    %scan3A_48 = arith.constant 0 : i32
    %scan3A_49 = arith.constant 40 : i32
    %scan3A_50 = arith.addi %scan3A_48, %scan3A_49 : i32
    %scan3A_51 = arith.constant 1 : i32
    scf.for %scan3A_448 = %scan3A_48 to %scan3A_50 step %scan3A_51  : i32 {
      %mul3A_449 = arith.constant 16 : i32
      %mul3A_450 = arith.muli %scan3A_448, %mul3A_449 : i32
      %swap3A_451 = arith.index_cast %mul3A_450 : i32 to index
      %swap3A_452 = tpu.vector_load %arg17[%swap3A_451] {strides = array<i32>} : memref<640xf32, #tpu.memory_space<vmem>>, vector<16xf32>,
      %swap3A_453 = vector.shape_cast %swap3A_452 : vector<16xf32> to vector<16xf32>
      %swap3A_454 = vector.shape_cast %broadcast_in_dim3A_1 : vector<16xf32> to vector<16xf32>
      tpu.vector_store %arg17[%swap3A_451], %swap3A_454 {strides = array<i32>} : memref<640xf32, #tpu.memory_space<vmem>>, vector<16xf32>,
    }
    %scan3A_52 = arith.constant 40 : i32
    %mul3A_53 = arith.constant 625 : i32
    %mul3A_54 = arith.muli %arg1, %mul3A_53 : i32
    %add3A_55 = arith.constant 0 : i32
    %add3A_56 = arith.addi %mul3A_54, %add3A_55 : i32
    %dma_start3A_57 = arith.constant 0 : i32
    %dma_start3A_58 = tpu.memref_slice %arg25[%add3A_56, %dma_start3A_57] : memref<10000x128xf32, #tpu.memory_space<vmem_shared>> -> memref<80x128xf32, #tpu.memory_space<vmem_shared>>
    %dma_start3A_59 = arith.constant 0 : i32
    %dma_start3A_60 = tpu.memref_slice %arg25[%add3A_56, %dma_start3A_59] : memref<10000x128xf32, #tpu.memory_space<vmem_shared>> -> memref<80x128xf32, #tpu.memory_space<vmem_shared>>
    tpu.enqueue_dma source(%arg13 : memref<80x128xf32, #tpu.memory_space<vmem>>) target(%dma_start3A_60 : memref<80x128xf32, #tpu.memory_space<vmem_shared>>) target_semaphore(%arg24 : memref<!tpu.dma_semaphore, #tpu.memory_space<semaphore_mem>>)
    %add3A_61 = arith.constant 80 : i32
    %add3A_62 = arith.addi %mul3A_54, %add3A_61 : i32
    %dma_start3A_63 = arith.constant 0 : i32
    %dma_start3A_64 = tpu.memref_slice %arg25[%add3A_62, %dma_start3A_63] : memref<10000x128xf32, #tpu.memory_space<vmem_shared>> -> memref<80x128xf32, #tpu.memory_space<vmem_shared>>
    %dma_start3A_65 = arith.constant 0 : i32
    %dma_start3A_66 = tpu.memref_slice %arg25[%add3A_62, %dma_start3A_65] : memref<10000x128xf32, #tpu.memory_space<vmem_shared>> -> memref<80x128xf32, #tpu.memory_space<vmem_shared>>
    tpu.enqueue_dma source(%arg13 : memref<80x128xf32, #tpu.memory_space<vmem>>) target(%dma_start3A_66 : memref<80x128xf32, #tpu.memory_space<vmem_shared>>) target_semaphore(%arg24 : memref<!tpu.dma_semaphore, #tpu.memory_space<semaphore_mem>>)
    %add3A_67 = arith.constant 160 : i32
    %add3A_68 = arith.addi %mul3A_54, %add3A_67 : i32
    %dma_start3A_69 = arith.constant 0 : i32
    %dma_start3A_70 = tpu.memref_slice %arg25[%add3A_68, %dma_start3A_69] : memref<10000x128xf32, #tpu.memory_space<vmem_shared>> -> memref<80x128xf32, #tpu.memory_space<vmem_shared>>
    %dma_start3A_71 = arith.constant 0 : i32
    %dma_start3A_72 = tpu.memref_slice %arg25[%add3A_68, %dma_start3A_71] : memref<10000x128xf32, #tpu.memory_space<vmem_shared>> -> memref<80x128xf32, #tpu.memory_space<vmem_shared>>
    tpu.enqueue_dma source(%arg13 : memref<80x128xf32, #tpu.memory_space<vmem>>) target(%dma_start3A_72 : memref<80x128xf32, #tpu.memory_space<vmem_shared>>) target_semaphore(%arg24 : memref<!tpu.dma_semaphore, #tpu.memory_space<semaphore_mem>>)
    %add3A_73 = arith.constant 240 : i32
    %add3A_74 = arith.addi %mul3A_54, %add3A_73 : i32
    %dma_start3A_75 = arith.constant 0 : i32
    %dma_start3A_76 = tpu.memref_slice %arg25[%add3A_74, %dma_start3A_75] : memref<10000x128xf32, #tpu.memory_space<vmem_shared>> -> memref<80x128xf32, #tpu.memory_space<vmem_shared>>
    %dma_start3A_77 = arith.constant 0 : i32
    %dma_start3A_78 = tpu.memref_slice %arg25[%add3A_74, %dma_start3A_77] : memref<10000x128xf32, #tpu.memory_space<vmem_shared>> -> memref<80x128xf32, #tpu.memory_space<vmem_shared>>
    tpu.enqueue_dma source(%arg13 : memref<80x128xf32, #tpu.memory_space<vmem>>) target(%dma_start3A_78 : memref<80x128xf32, #tpu.memory_space<vmem_shared>>) target_semaphore(%arg24 : memref<!tpu.dma_semaphore, #tpu.memory_space<semaphore_mem>>)
    %add3A_79 = arith.constant 320 : i32
    %add3A_80 = arith.addi %mul3A_54, %add3A_79 : i32
    %dma_start3A_81 = arith.constant 0 : i32
    %dma_start3A_82 = tpu.memref_slice %arg25[%add3A_80, %dma_start3A_81] : memref<10000x128xf32, #tpu.memory_space<vmem_shared>> -> memref<80x128xf32, #tpu.memory_space<vmem_shared>>
    %dma_start3A_83 = arith.constant 0 : i32
    %dma_start3A_84 = tpu.memref_slice %arg25[%add3A_80, %dma_start3A_83] : memref<10000x128xf32, #tpu.memory_space<vmem_shared>> -> memref<80x128xf32, #tpu.memory_space<vmem_shared>>
    tpu.enqueue_dma source(%arg13 : memref<80x128xf32, #tpu.memory_space<vmem>>) target(%dma_start3A_84 : memref<80x128xf32, #tpu.memory_space<vmem_shared>>) target_semaphore(%arg24 : memref<!tpu.dma_semaphore, #tpu.memory_space<semaphore_mem>>)
    %add3A_85 = arith.constant 400 : i32
    %add3A_86 = arith.addi %mul3A_54, %add3A_85 : i32
    %dma_start3A_87 = arith.constant 0 : i32
    %dma_start3A_88 = tpu.memref_slice %arg25[%add3A_86, %dma_start3A_87] : memref<10000x128xf32, #tpu.memory_space<vmem_shared>> -> memref<80x128xf32, #tpu.memory_space<vmem_shared>>
    %dma_start3A_89 = arith.constant 0 : i32
    %dma_start3A_90 = tpu.memref_slice %arg25[%add3A_86, %dma_start3A_89] : memref<10000x128xf32, #tpu.memory_space<vmem_shared>> -> memref<80x128xf32, #tpu.memory_space<vmem_shared>>
    tpu.enqueue_dma source(%arg13 : memref<80x128xf32, #tpu.memory_space<vmem>>) target(%dma_start3A_90 : memref<80x128xf32, #tpu.memory_space<vmem_shared>>) target_semaphore(%arg24 : memref<!tpu.dma_semaphore, #tpu.memory_space<semaphore_mem>>)
    %add3A_91 = arith.constant 480 : i32
    %add3A_92 = arith.addi %mul3A_54, %add3A_91 : i32
    %dma_start3A_93 = arith.constant 0 : i32
    %dma_start3A_94 = tpu.memref_slice %arg25[%add3A_92, %dma_start3A_93] : memref<10000x128xf32, #tpu.memory_space<vmem_shared>> -> memref<80x128xf32, #tpu.memory_space<vmem_shared>>
    %dma_start3A_95 = arith.constant 0 : i32
    %dma_start3A_96 = tpu.memref_slice %arg25[%add3A_92, %dma_start3A_95] : memref<10000x128xf32, #tpu.memory_space<vmem_shared>> -> memref<80x128xf32, #tpu.memory_space<vmem_shared>>
    tpu.enqueue_dma source(%arg13 : memref<80x128xf32, #tpu.memory_space<vmem>>) target(%dma_start3A_96 : memref<80x128xf32, #tpu.memory_space<vmem_shared>>) target_semaphore(%arg24 : memref<!tpu.dma_semaphore, #tpu.memory_space<semaphore_mem>>)
    %add3A_97 = arith.constant 560 : i32
    %add3A_98 = arith.addi %mul3A_54, %add3A_97 : i32
    %dma_start3A_99 = arith.constant 0 : i32
    %dma_start3A_100 = arith.constant 0 : i32
    %dma_start3A_101 = tpu.memref_slice %arg13[%dma_start3A_99, %dma_start3A_100] : memref<80x128xf32, #tpu.memory_space<vmem>> -> memref<65x128xf32, #tpu.memory_space<vmem>>
    %dma_start3A_102 = arith.constant 0 : i32
    %dma_start3A_103 = tpu.memref_slice %arg25[%add3A_98, %dma_start3A_102] : memref<10000x128xf32, #tpu.memory_space<vmem_shared>> -> memref<65x128xf32, #tpu.memory_space<vmem_shared>>
    %dma_start3A_104 = arith.constant 0 : i32
    %dma_start3A_105 = tpu.memref_slice %arg25[%add3A_98, %dma_start3A_104] : memref<10000x128xf32, #tpu.memory_space<vmem_shared>> -> memref<65x128xf32, #tpu.memory_space<vmem_shared>>
    %dma_start3A_106 = arith.constant 0 : i32
    %dma_start3A_107 = arith.constant 0 : i32
    %dma_start3A_108 = tpu.memref_slice %arg13[%dma_start3A_106, %dma_start3A_107] : memref<80x128xf32, #tpu.memory_space<vmem>> -> memref<65x128xf32, #tpu.memory_space<vmem>>
    tpu.enqueue_dma source(%dma_start3A_108 : memref<65x128xf32, #tpu.memory_space<vmem>>) target(%dma_start3A_105 : memref<65x128xf32, #tpu.memory_space<vmem_shared>>) target_semaphore(%arg24 : memref<!tpu.dma_semaphore, #tpu.memory_space<semaphore_mem>>)
    %mul3A_109 = arith.constant 624 : i32
    %mul3A_110 = arith.muli %arg1, %mul3A_109 : i32
    "tpu.region"() ({
      %run_scoped3A = tpu.sem_alloc : memref<!tpu.dma_semaphore, #tpu.memory_space<semaphore_mem>>
      %dma_start3A_448 = arith.constant 0 : i32
      %dma_start3A_449 = tpu.memref_slice %arg17[%dma_start3A_448] : memref<640xf32, #tpu.memory_space<vmem>> -> memref<624xf32, #tpu.memory_space<vmem>>
      %dma_start3A_450 = tpu.memref_slice %arg26[%mul3A_110] : memref<10000xf32, #tpu.memory_space<vmem_shared>> -> memref<624xf32, #tpu.memory_space<vmem_shared>>
      %dma_start3A_451 = tpu.memref_slice %arg26[%mul3A_110] : memref<10000xf32, #tpu.memory_space<vmem_shared>> -> memref<624xf32, #tpu.memory_space<vmem_shared>>
      %dma_start3A_452 = arith.constant 0 : i32
      %dma_start3A_453 = tpu.memref_slice %arg17[%dma_start3A_452] : memref<640xf32, #tpu.memory_space<vmem>> -> memref<624xf32, #tpu.memory_space<vmem>>
      tpu.enqueue_dma source(%dma_start3A_453 : memref<624xf32, #tpu.memory_space<vmem>>) target(%dma_start3A_451 : memref<624xf32, #tpu.memory_space<vmem_shared>>) target_semaphore(%run_scoped3A : memref<!tpu.dma_semaphore, #tpu.memory_space<semaphore_mem>>)
      %dma_wait3A_454 = arith.constant 0 : i32
      %dma_wait3A_455 = tpu.memref_slice %arg17[%dma_wait3A_454] : memref<640xf32, #tpu.memory_space<vmem>> -> memref<624xf32, #tpu.memory_space<vmem>>
      %dma_wait3A_456 = tpu.memref_slice %arg26[%mul3A_110] : memref<10000xf32, #tpu.memory_space<vmem_shared>> -> memref<624xf32, #tpu.memory_space<vmem_shared>>
      %dma_wait3A_457 = tpu.memref_slice %arg26[%mul3A_110] : memref<10000xf32, #tpu.memory_space<vmem_shared>> -> memref<624xf32, #tpu.memory_space<vmem_shared>>
      %dma_wait3A_458 = arith.constant 0 : i32
      %dma_wait3A_459 = tpu.memref_slice %arg17[%dma_wait3A_458] : memref<640xf32, #tpu.memory_space<vmem>> -> memref<624xf32, #tpu.memory_space<vmem>>
      tpu.wait_dma2 semaphore(%run_scoped3A : memref<!tpu.dma_semaphore, #tpu.memory_space<semaphore_mem>>) src(%dma_wait3A_459 : memref<624xf32, #tpu.memory_space<vmem>>) dst(%dma_wait3A_457 : memref<624xf32, #tpu.memory_space<vmem_shared>>)
      tpu.yield
    }) : () -> ()
    %eq3A = arith.constant 15 : i32
    %eq3A_111 = arith.cmpi eq, %arg1, %eq3A : i32
    %convert_element_type3A = arith.extui %eq3A_111 : i1 to i32
    %cond3A = arith.constant 0 : i32
    %cond3A_112 = arith.cmpi ne, %convert_element_type3A, %cond3A : i32
    scf.if %cond3A_112 {
      "tpu.region"() ({
        %run_scoped3A = tpu.sem_alloc : memref<!tpu.dma_semaphore, #tpu.memory_space<semaphore_mem>>
        %dma_start3A_448 = arith.constant 0 : i32
        %dma_start3A_449 = tpu.memref_slice %arg17[%dma_start3A_448] : memref<640xf32, #tpu.memory_space<vmem>> -> memref<16xf32, #tpu.memory_space<vmem>>
        %dma_start3A_450 = arith.constant 9984 : i32
        %dma_start3A_451 = tpu.memref_slice %arg26[%dma_start3A_450] : memref<10000xf32, #tpu.memory_space<vmem_shared>> -> memref<16xf32, #tpu.memory_space<vmem_shared>>
        %dma_start3A_452 = arith.constant 9984 : i32
        %dma_start3A_453 = tpu.memref_slice %arg26[%dma_start3A_452] : memref<10000xf32, #tpu.memory_space<vmem_shared>> -> memref<16xf32, #tpu.memory_space<vmem_shared>>
        %dma_start3A_454 = arith.constant 0 : i32
        %dma_start3A_455 = tpu.memref_slice %arg17[%dma_start3A_454] : memref<640xf32, #tpu.memory_space<vmem>> -> memref<16xf32, #tpu.memory_space<vmem>>
        tpu.enqueue_dma source(%dma_start3A_455 : memref<16xf32, #tpu.memory_space<vmem>>) target(%dma_start3A_453 : memref<16xf32, #tpu.memory_space<vmem_shared>>) target_semaphore(%run_scoped3A : memref<!tpu.dma_semaphore, #tpu.memory_space<semaphore_mem>>)
        %dma_wait3A_456 = arith.constant 0 : i32
        %dma_wait3A_457 = tpu.memref_slice %arg17[%dma_wait3A_456] : memref<640xf32, #tpu.memory_space<vmem>> -> memref<16xf32, #tpu.memory_space<vmem>>
        %dma_wait3A_458 = arith.constant 9984 : i32
        %dma_wait3A_459 = tpu.memref_slice %arg26[%dma_wait3A_458] : memref<10000xf32, #tpu.memory_space<vmem_shared>> -> memref<16xf32, #tpu.memory_space<vmem_shared>>
        %dma_wait3A_460 = arith.constant 9984 : i32
        %dma_wait3A_461 = tpu.memref_slice %arg26[%dma_wait3A_460] : memref<10000xf32, #tpu.memory_space<vmem_shared>> -> memref<16xf32, #tpu.memory_space<vmem_shared>>
        %dma_wait3A_462 = arith.constant 0 : i32
        %dma_wait3A_463 = tpu.memref_slice %arg17[%dma_wait3A_462] : memref<640xf32, #tpu.memory_space<vmem>> -> memref<16xf32, #tpu.memory_space<vmem>>
        tpu.wait_dma2 semaphore(%run_scoped3A : memref<!tpu.dma_semaphore, #tpu.memory_space<semaphore_mem>>) src(%dma_wait3A_463 : memref<16xf32, #tpu.memory_space<vmem>>) dst(%dma_wait3A_461 : memref<16xf32, #tpu.memory_space<vmem_shared>>)
        tpu.yield
      }) : () -> ()
    } else {
    }
    %dma_wait3A = arith.constant 0 : i32
    %dma_wait3A_113 = arith.constant 0 : i32
    %dma_wait3A_114 = tpu.memref_slice %arg3[%add3A, %dma_wait3A, %dma_wait3A_113] : memref<32x125x80xi32, #tpu.memory_space<hbm>> -> memref<1x125x80xi32, #tpu.memory_space<hbm>>
    %dma_wait3A_115 = tpu.memref_squeeze %dma_wait3A_114 : memref<1x125x80xi32, #tpu.memory_space<hbm>> -> memref<125x80xi32, #tpu.memory_space<hbm>>
    %dma_wait3A_116 = arith.constant 0 : i32
    %dma_wait3A_117 = arith.constant 0 : i32
    %dma_wait3A_118 = tpu.memref_slice %arg3[%add3A, %dma_wait3A_116, %dma_wait3A_117] : memref<32x125x80xi32, #tpu.memory_space<hbm>> -> memref<1x125x80xi32, #tpu.memory_space<hbm>>
    %dma_wait3A_119 = tpu.memref_squeeze %dma_wait3A_118 : memref<1x125x80xi32, #tpu.memory_space<hbm>> -> memref<125x80xi32, #tpu.memory_space<hbm>>
    tpu.wait_dma2 semaphore(%arg18 : memref<!tpu.dma_semaphore, #tpu.memory_space<semaphore_mem>>) src(%dma_wait3A_119 : memref<125x80xi32, #tpu.memory_space<hbm>>) dst(%arg6 : memref<125x80xi32, #tpu.memory_space<vmem>>)
    %add3A_120 = arith.constant 0 : i32
    %add3A_121 = arith.addi %mul3A_54, %add3A_120 : i32
    %dma_wait3A_122 = arith.constant 0 : i32
    %dma_wait3A_123 = tpu.memref_slice %arg25[%add3A_121, %dma_wait3A_122] : memref<10000x128xf32, #tpu.memory_space<vmem_shared>> -> memref<80x128xf32, #tpu.memory_space<vmem_shared>>
    %dma_wait3A_124 = arith.constant 0 : i32
    %dma_wait3A_125 = tpu.memref_slice %arg25[%add3A_121, %dma_wait3A_124] : memref<10000x128xf32, #tpu.memory_space<vmem_shared>> -> memref<80x128xf32, #tpu.memory_space<vmem_shared>>
    tpu.wait_dma2 semaphore(%arg24 : memref<!tpu.dma_semaphore, #tpu.memory_space<semaphore_mem>>) src(%arg13 : memref<80x128xf32, #tpu.memory_space<vmem>>) dst(%dma_wait3A_125 : memref<80x128xf32, #tpu.memory_space<vmem_shared>>)
    %add3A_126 = arith.constant 80 : i32
    %add3A_127 = arith.addi %mul3A_54, %add3A_126 : i32
    %dma_wait3A_128 = arith.constant 0 : i32
    %dma_wait3A_129 = tpu.memref_slice %arg25[%add3A_127, %dma_wait3A_128] : memref<10000x128xf32, #tpu.memory_space<vmem_shared>> -> memref<80x128xf32, #tpu.memory_space<vmem_shared>>
    %dma_wait3A_130 = arith.constant 0 : i32
    %dma_wait3A_131 = tpu.memref_slice %arg25[%add3A_127, %dma_wait3A_130] : memref<10000x128xf32, #tpu.memory_space<vmem_shared>> -> memref<80x128xf32, #tpu.memory_space<vmem_shared>>
    tpu.wait_dma2 semaphore(%arg24 : memref<!tpu.dma_semaphore, #tpu.memory_space<semaphore_mem>>) src(%arg13 : memref<80x128xf32, #tpu.memory_space<vmem>>) dst(%dma_wait3A_131 : memref<80x128xf32, #tpu.memory_space<vmem_shared>>)
    %add3A_132 = arith.constant 160 : i32
    %add3A_133 = arith.addi %mul3A_54, %add3A_132 : i32
    %dma_wait3A_134 = arith.constant 0 : i32
    %dma_wait3A_135 = tpu.memref_slice %arg25[%add3A_133, %dma_wait3A_134] : memref<10000x128xf32, #tpu.memory_space<vmem_shared>> -> memref<80x128xf32, #tpu.memory_space<vmem_shared>>
    %dma_wait3A_136 = arith.constant 0 : i32
    %dma_wait3A_137 = tpu.memref_slice %arg25[%add3A_133, %dma_wait3A_136] : memref<10000x128xf32, #tpu.memory_space<vmem_shared>> -> memref<80x128xf32, #tpu.memory_space<vmem_shared>>
    tpu.wait_dma2 semaphore(%arg24 : memref<!tpu.dma_semaphore, #tpu.memory_space<semaphore_mem>>) src(%arg13 : memref<80x128xf32, #tpu.memory_space<vmem>>) dst(%dma_wait3A_137 : memref<80x128xf32, #tpu.memory_space<vmem_shared>>)
    %add3A_138 = arith.constant 240 : i32
    %add3A_139 = arith.addi %mul3A_54, %add3A_138 : i32
    %dma_wait3A_140 = arith.constant 0 : i32
    %dma_wait3A_141 = tpu.memref_slice %arg25[%add3A_139, %dma_wait3A_140] : memref<10000x128xf32, #tpu.memory_space<vmem_shared>> -> memref<80x128xf32, #tpu.memory_space<vmem_shared>>
    %dma_wait3A_142 = arith.constant 0 : i32
    %dma_wait3A_143 = tpu.memref_slice %arg25[%add3A_139, %dma_wait3A_142] : memref<10000x128xf32, #tpu.memory_space<vmem_shared>> -> memref<80x128xf32, #tpu.memory_space<vmem_shared>>
    tpu.wait_dma2 semaphore(%arg24 : memref<!tpu.dma_semaphore, #tpu.memory_space<semaphore_mem>>) src(%arg13 : memref<80x128xf32, #tpu.memory_space<vmem>>) dst(%dma_wait3A_143 : memref<80x128xf32, #tpu.memory_space<vmem_shared>>)
    %add3A_144 = arith.constant 320 : i32
    %add3A_145 = arith.addi %mul3A_54, %add3A_144 : i32
    %dma_wait3A_146 = arith.constant 0 : i32
    %dma_wait3A_147 = tpu.memref_slice %arg25[%add3A_145, %dma_wait3A_146] : memref<10000x128xf32, #tpu.memory_space<vmem_shared>> -> memref<80x128xf32, #tpu.memory_space<vmem_shared>>
    %dma_wait3A_148 = arith.constant 0 : i32
    %dma_wait3A_149 = tpu.memref_slice %arg25[%add3A_145, %dma_wait3A_148] : memref<10000x128xf32, #tpu.memory_space<vmem_shared>> -> memref<80x128xf32, #tpu.memory_space<vmem_shared>>
    tpu.wait_dma2 semaphore(%arg24 : memref<!tpu.dma_semaphore, #tpu.memory_space<semaphore_mem>>) src(%arg13 : memref<80x128xf32, #tpu.memory_space<vmem>>) dst(%dma_wait3A_149 : memref<80x128xf32, #tpu.memory_space<vmem_shared>>)
    %add3A_150 = arith.constant 400 : i32
    %add3A_151 = arith.addi %mul3A_54, %add3A_150 : i32
    %dma_wait3A_152 = arith.constant 0 : i32
    %dma_wait3A_153 = tpu.memref_slice %arg25[%add3A_151, %dma_wait3A_152] : memref<10000x128xf32, #tpu.memory_space<vmem_shared>> -> memref<80x128xf32, #tpu.memory_space<vmem_shared>>
    %dma_wait3A_154 = arith.constant 0 : i32
    %dma_wait3A_155 = tpu.memref_slice %arg25[%add3A_151, %dma_wait3A_154] : memref<10000x128xf32, #tpu.memory_space<vmem_shared>> -> memref<80x128xf32, #tpu.memory_space<vmem_shared>>
    tpu.wait_dma2 semaphore(%arg24 : memref<!tpu.dma_semaphore, #tpu.memory_space<semaphore_mem>>) src(%arg13 : memref<80x128xf32, #tpu.memory_space<vmem>>) dst(%dma_wait3A_155 : memref<80x128xf32, #tpu.memory_space<vmem_shared>>)
    %add3A_156 = arith.constant 480 : i32
    %add3A_157 = arith.addi %mul3A_54, %add3A_156 : i32
    %dma_wait3A_158 = arith.constant 0 : i32
    %dma_wait3A_159 = tpu.memref_slice %arg25[%add3A_157, %dma_wait3A_158] : memref<10000x128xf32, #tpu.memory_space<vmem_shared>> -> memref<80x128xf32, #tpu.memory_space<vmem_shared>>
    %dma_wait3A_160 = arith.constant 0 : i32
    %dma_wait3A_161 = tpu.memref_slice %arg25[%add3A_157, %dma_wait3A_160] : memref<10000x128xf32, #tpu.memory_space<vmem_shared>> -> memref<80x128xf32, #tpu.memory_space<vmem_shared>>
    tpu.wait_dma2 semaphore(%arg24 : memref<!tpu.dma_semaphore, #tpu.memory_space<semaphore_mem>>) src(%arg13 : memref<80x128xf32, #tpu.memory_space<vmem>>) dst(%dma_wait3A_161 : memref<80x128xf32, #tpu.memory_space<vmem_shared>>)
    %add3A_162 = arith.constant 560 : i32
    %add3A_163 = arith.addi %mul3A_54, %add3A_162 : i32
    %dma_wait3A_164 = arith.constant 0 : i32
    %dma_wait3A_165 = arith.constant 0 : i32
    %dma_wait3A_166 = tpu.memref_slice %arg13[%dma_wait3A_164, %dma_wait3A_165] : memref<80x128xf32, #tpu.memory_space<vmem>> -> memref<65x128xf32, #tpu.memory_space<vmem>>
    %dma_wait3A_167 = arith.constant 0 : i32
    %dma_wait3A_168 = tpu.memref_slice %arg25[%add3A_163, %dma_wait3A_167] : memref<10000x128xf32, #tpu.memory_space<vmem_shared>> -> memref<65x128xf32, #tpu.memory_space<vmem_shared>>
    %dma_wait3A_169 = arith.constant 0 : i32
    %dma_wait3A_170 = tpu.memref_slice %arg25[%add3A_163, %dma_wait3A_169] : memref<10000x128xf32, #tpu.memory_space<vmem_shared>> -> memref<65x128xf32, #tpu.memory_space<vmem_shared>>
    %dma_wait3A_171 = arith.constant 0 : i32
    %dma_wait3A_172 = arith.constant 0 : i32
    %dma_wait3A_173 = tpu.memref_slice %arg13[%dma_wait3A_171, %dma_wait3A_172] : memref<80x128xf32, #tpu.memory_space<vmem>> -> memref<65x128xf32, #tpu.memory_space<vmem>>
    tpu.wait_dma2 semaphore(%arg24 : memref<!tpu.dma_semaphore, #tpu.memory_space<semaphore_mem>>) src(%dma_wait3A_173 : memref<65x128xf32, #tpu.memory_space<vmem>>) dst(%dma_wait3A_170 : memref<65x128xf32, #tpu.memory_space<vmem_shared>>)
    %get3A = arith.constant 0 : i32
    %get3A_174 = arith.index_cast %get3A : i32 to index
    %get3A_175 = arith.constant 0 : index
    %get3A_176 = tpu.vector_load %arg6[%get3A_174, %get3A_175] {strides = array<i32>} : memref<125x80xi32, #tpu.memory_space<vmem>>, vector<1x16xi32>,
    %get3A_177 = vector.shape_cast %get3A_176 : vector<1x16xi32> to vector<16xi32>
    %and3A = arith.andi %get3A_177, %broadcast_in_dim3A_3 : vector<16xi32>
    %swap3A_178 = arith.constant 0 : index
    %swap3A_179 = tpu.vector_load %arg7[%swap3A_178] {strides = array<i32>} : memref<80xi32, #tpu.memory_space<vmem>>, vector<16xi32>,
    %swap3A_180 = vector.shape_cast %swap3A_179 : vector<16xi32> to vector<16xi32>
    %swap3A_181 = vector.shape_cast %and3A : vector<16xi32> to vector<16xi32>
    tpu.vector_store %arg7[%swap3A_178], %swap3A_181 {strides = array<i32>} : memref<80xi32, #tpu.memory_space<vmem>>, vector<16xi32>,
    %shift_right_logical3A = arith.shrui %get3A_177, %broadcast_in_dim3A_5 : vector<16xi32>
    %swap3A_182 = arith.constant 0 : index
    %swap3A_183 = tpu.vector_load %arg10[%swap3A_182] {strides = array<i32>} : memref<80xi32, #tpu.memory_space<vmem>>, vector<16xi32>,
    %swap3A_184 = vector.shape_cast %swap3A_183 : vector<16xi32> to vector<16xi32>
    %swap3A_185 = vector.shape_cast %shift_right_logical3A : vector<16xi32> to vector<16xi32>
    tpu.vector_store %arg10[%swap3A_182], %swap3A_185 {strides = array<i32>} : memref<80xi32, #tpu.memory_space<vmem>>, vector<16xi32>,
    %get3A_186 = arith.constant 0 : i32
    %get3A_187 = arith.index_cast %get3A_186 : i32 to index
    %get3A_188 = arith.constant 16 : index
    %get3A_189 = tpu.vector_load %arg6[%get3A_187, %get3A_188] {strides = array<i32>} : memref<125x80xi32, #tpu.memory_space<vmem>>, vector<1x16xi32>,
    %get3A_190 = vector.shape_cast %get3A_189 : vector<1x16xi32> to vector<16xi32>
    %and3A_191 = arith.andi %get3A_190, %broadcast_in_dim3A_3 : vector<16xi32>
    %swap3A_192 = arith.constant 16 : index
    %swap3A_193 = tpu.vector_load %arg7[%swap3A_192] {strides = array<i32>} : memref<80xi32, #tpu.memory_space<vmem>>, vector<16xi32>,
    %swap3A_194 = vector.shape_cast %swap3A_193 : vector<16xi32> to vector<16xi32>
    %swap3A_195 = vector.shape_cast %and3A_191 : vector<16xi32> to vector<16xi32>
    tpu.vector_store %arg7[%swap3A_192], %swap3A_195 {strides = array<i32>} : memref<80xi32, #tpu.memory_space<vmem>>, vector<16xi32>,
    %shift_right_logical3A_196 = arith.shrui %get3A_190, %broadcast_in_dim3A_5 : vector<16xi32>
    %swap3A_197 = arith.constant 16 : index
    %swap3A_198 = tpu.vector_load %arg10[%swap3A_197] {strides = array<i32>} : memref<80xi32, #tpu.memory_space<vmem>>, vector<16xi32>,
    %swap3A_199 = vector.shape_cast %swap3A_198 : vector<16xi32> to vector<16xi32>
    %swap3A_200 = vector.shape_cast %shift_right_logical3A_196 : vector<16xi32> to vector<16xi32>
    tpu.vector_store %arg10[%swap3A_197], %swap3A_200 {strides = array<i32>} : memref<80xi32, #tpu.memory_space<vmem>>, vector<16xi32>,
    %get3A_201 = arith.constant 0 : i32
    %get3A_202 = arith.index_cast %get3A_201 : i32 to index
    %get3A_203 = arith.constant 32 : index
    %get3A_204 = tpu.vector_load %arg6[%get3A_202, %get3A_203] {strides = array<i32>} : memref<125x80xi32, #tpu.memory_space<vmem>>, vector<1x16xi32>,
    %get3A_205 = vector.shape_cast %get3A_204 : vector<1x16xi32> to vector<16xi32>
    %and3A_206 = arith.andi %get3A_205, %broadcast_in_dim3A_3 : vector<16xi32>
    %swap3A_207 = arith.constant 32 : index
    %swap3A_208 = tpu.vector_load %arg7[%swap3A_207] {strides = array<i32>} : memref<80xi32, #tpu.memory_space<vmem>>, vector<16xi32>,
    %swap3A_209 = vector.shape_cast %swap3A_208 : vector<16xi32> to vector<16xi32>
    %swap3A_210 = vector.shape_cast %and3A_206 : vector<16xi32> to vector<16xi32>
    tpu.vector_store %arg7[%swap3A_207], %swap3A_210 {strides = array<i32>} : memref<80xi32, #tpu.memory_space<vmem>>, vector<16xi32>,
    %shift_right_logical3A_211 = arith.shrui %get3A_205, %broadcast_in_dim3A_5 : vector<16xi32>
    %swap3A_212 = arith.constant 32 : index
    %swap3A_213 = tpu.vector_load %arg10[%swap3A_212] {strides = array<i32>} : memref<80xi32, #tpu.memory_space<vmem>>, vector<16xi32>,
    %swap3A_214 = vector.shape_cast %swap3A_213 : vector<16xi32> to vector<16xi32>
    %swap3A_215 = vector.shape_cast %shift_right_logical3A_211 : vector<16xi32> to vector<16xi32>
    tpu.vector_store %arg10[%swap3A_212], %swap3A_215 {strides = array<i32>} : memref<80xi32, #tpu.memory_space<vmem>>, vector<16xi32>,
    %get3A_216 = arith.constant 0 : i32
    %get3A_217 = arith.index_cast %get3A_216 : i32 to index
    %get3A_218 = arith.constant 48 : index
    %get3A_219 = tpu.vector_load %arg6[%get3A_217, %get3A_218] {strides = array<i32>} : memref<125x80xi32, #tpu.memory_space<vmem>>, vector<1x16xi32>,
    %get3A_220 = vector.shape_cast %get3A_219 : vector<1x16xi32> to vector<16xi32>
    %and3A_221 = arith.andi %get3A_220, %broadcast_in_dim3A_3 : vector<16xi32>
    %swap3A_222 = arith.constant 48 : index
    %swap3A_223 = tpu.vector_load %arg7[%swap3A_222] {strides = array<i32>} : memref<80xi32, #tpu.memory_space<vmem>>, vector<16xi32>,
    %swap3A_224 = vector.shape_cast %swap3A_223 : vector<16xi32> to vector<16xi32>
    %swap3A_225 = vector.shape_cast %and3A_221 : vector<16xi32> to vector<16xi32>
    tpu.vector_store %arg7[%swap3A_222], %swap3A_225 {strides = array<i32>} : memref<80xi32, #tpu.memory_space<vmem>>, vector<16xi32>,
    %shift_right_logical3A_226 = arith.shrui %get3A_220, %broadcast_in_dim3A_5 : vector<16xi32>
    %swap3A_227 = arith.constant 48 : index
    %swap3A_228 = tpu.vector_load %arg10[%swap3A_227] {strides = array<i32>} : memref<80xi32, #tpu.memory_space<vmem>>, vector<16xi32>,
    %swap3A_229 = vector.shape_cast %swap3A_228 : vector<16xi32> to vector<16xi32>
    %swap3A_230 = vector.shape_cast %shift_right_logical3A_226 : vector<16xi32> to vector<16xi32>
    tpu.vector_store %arg10[%swap3A_227], %swap3A_230 {strides = array<i32>} : memref<80xi32, #tpu.memory_space<vmem>>, vector<16xi32>,
    %get3A_231 = arith.constant 0 : i32
    %get3A_232 = arith.index_cast %get3A_231 : i32 to index
    %get3A_233 = arith.constant 64 : index
    %get3A_234 = tpu.vector_load %arg6[%get3A_232, %get3A_233] {strides = array<i32>} : memref<125x80xi32, #tpu.memory_space<vmem>>, vector<1x16xi32>,
    %get3A_235 = vector.shape_cast %get3A_234 : vector<1x16xi32> to vector<16xi32>
    %and3A_236 = arith.andi %get3A_235, %broadcast_in_dim3A_3 : vector<16xi32>
    %swap3A_237 = arith.constant 64 : index
    %swap3A_238 = tpu.vector_load %arg7[%swap3A_237] {strides = array<i32>} : memref<80xi32, #tpu.memory_space<vmem>>, vector<16xi32>,
    %swap3A_239 = vector.shape_cast %swap3A_238 : vector<16xi32> to vector<16xi32>
    %swap3A_240 = vector.shape_cast %and3A_236 : vector<16xi32> to vector<16xi32>
    tpu.vector_store %arg7[%swap3A_237], %swap3A_240 {strides = array<i32>} : memref<80xi32, #tpu.memory_space<vmem>>, vector<16xi32>,
    %shift_right_logical3A_241 = arith.shrui %get3A_235, %broadcast_in_dim3A_5 : vector<16xi32>
    %swap3A_242 = arith.constant 64 : index
    %swap3A_243 = tpu.vector_load %arg10[%swap3A_242] {strides = array<i32>} : memref<80xi32, #tpu.memory_space<vmem>>, vector<16xi32>,
    %swap3A_244 = vector.shape_cast %swap3A_243 : vector<16xi32> to vector<16xi32>
    %swap3A_245 = vector.shape_cast %shift_right_logical3A_241 : vector<16xi32> to vector<16xi32>
    tpu.vector_store %arg10[%swap3A_242], %swap3A_245 {strides = array<i32>} : memref<80xi32, #tpu.memory_space<vmem>>, vector<16xi32>,
    %dma_start3A_246 = arith.constant 0 : i32
    %dma_start3A_247 = arith.constant 0 : i32
    %dma_start3A_248 = tpu.memref_slice %arg2[%dma_start3A_246, %dma_start3A_247] : memref<10000x128xf32, #tpu.memory_space<hbm>> -> memref<10000x128xf32, #tpu.memory_space<hbm>>
    tpu.enqueue_indirect_dma source(%dma_start3A_248 : memref<10000x128xf32, #tpu.memory_space<hbm>>) target(%arg13 : memref<80x128xf32, #tpu.memory_space<vmem>>) offsets(%arg7 : memref<80xi32, #tpu.memory_space<vmem>>) semaphore(%arg18 : memref<!tpu.dma_semaphore, #tpu.memory_space<semaphore_mem>>)
    %get3A_249 = arith.constant 1 : i32
    %get3A_250 = arith.index_cast %get3A_249 : i32 to index
    %get3A_251 = arith.constant 0 : index
    %get3A_252 = tpu.vector_load %arg6[%get3A_250, %get3A_251] {strides = array<i32>} : memref<125x80xi32, #tpu.memory_space<vmem>>, vector<1x16xi32>,
    %get3A_253 = vector.shape_cast %get3A_252 : vector<1x16xi32> to vector<16xi32>
    %and3A_254 = arith.andi %get3A_253, %broadcast_in_dim3A_3 : vector<16xi32>
    %swap3A_255 = arith.constant 0 : index
    %swap3A_256 = tpu.vector_load %arg8[%swap3A_255] {strides = array<i32>} : memref<80xi32, #tpu.memory_space<vmem>>, vector<16xi32>,
    %swap3A_257 = vector.shape_cast %swap3A_256 : vector<16xi32> to vector<16xi32>
    %swap3A_258 = vector.shape_cast %and3A_254 : vector<16xi32> to vector<16xi32>
    tpu.vector_store %arg8[%swap3A_255], %swap3A_258 {strides = array<i32>} : memref<80xi32, #tpu.memory_space<vmem>>, vector<16xi32>,
    %shift_right_logical3A_259 = arith.shrui %get3A_253, %broadcast_in_dim3A_5 : vector<16xi32>
    %swap3A_260 = arith.constant 0 : index
    %swap3A_261 = tpu.vector_load %arg11[%swap3A_260] {strides = array<i32>} : memref<80xi32, #tpu.memory_space<vmem>>, vector<16xi32>,
    %swap3A_262 = vector.shape_cast %swap3A_261 : vector<16xi32> to vector<16xi32>
    %swap3A_263 = vector.shape_cast %shift_right_logical3A_259 : vector<16xi32> to vector<16xi32>
    tpu.vector_store %arg11[%swap3A_260], %swap3A_263 {strides = array<i32>} : memref<80xi32, #tpu.memory_space<vmem>>, vector<16xi32>,
    %get3A_264 = arith.constant 1 : i32
    %get3A_265 = arith.index_cast %get3A_264 : i32 to index
    %get3A_266 = arith.constant 16 : index
    %get3A_267 = tpu.vector_load %arg6[%get3A_265, %get3A_266] {strides = array<i32>} : memref<125x80xi32, #tpu.memory_space<vmem>>, vector<1x16xi32>,
    %get3A_268 = vector.shape_cast %get3A_267 : vector<1x16xi32> to vector<16xi32>
    %and3A_269 = arith.andi %get3A_268, %broadcast_in_dim3A_3 : vector<16xi32>
    %swap3A_270 = arith.constant 16 : index
    %swap3A_271 = tpu.vector_load %arg8[%swap3A_270] {strides = array<i32>} : memref<80xi32, #tpu.memory_space<vmem>>, vector<16xi32>,
    %swap3A_272 = vector.shape_cast %swap3A_271 : vector<16xi32> to vector<16xi32>
    %swap3A_273 = vector.shape_cast %and3A_269 : vector<16xi32> to vector<16xi32>
    tpu.vector_store %arg8[%swap3A_270], %swap3A_273 {strides = array<i32>} : memref<80xi32, #tpu.memory_space<vmem>>, vector<16xi32>,
    %shift_right_logical3A_274 = arith.shrui %get3A_268, %broadcast_in_dim3A_5 : vector<16xi32>
    %swap3A_275 = arith.constant 16 : index
    %swap3A_276 = tpu.vector_load %arg11[%swap3A_275] {strides = array<i32>} : memref<80xi32, #tpu.memory_space<vmem>>, vector<16xi32>,
    %swap3A_277 = vector.shape_cast %swap3A_276 : vector<16xi32> to vector<16xi32>
    %swap3A_278 = vector.shape_cast %shift_right_logical3A_274 : vector<16xi32> to vector<16xi32>
    tpu.vector_store %arg11[%swap3A_275], %swap3A_278 {strides = array<i32>} : memref<80xi32, #tpu.memory_space<vmem>>, vector<16xi32>,
    %get3A_279 = arith.constant 1 : i32
    %get3A_280 = arith.index_cast %get3A_279 : i32 to index
    %get3A_281 = arith.constant 32 : index
    %get3A_282 = tpu.vector_load %arg6[%get3A_280, %get3A_281] {strides = array<i32>} : memref<125x80xi32, #tpu.memory_space<vmem>>, vector<1x16xi32>,
    %get3A_283 = vector.shape_cast %get3A_282 : vector<1x16xi32> to vector<16xi32>
    %and3A_284 = arith.andi %get3A_283, %broadcast_in_dim3A_3 : vector<16xi32>
    %swap3A_285 = arith.constant 32 : index
    %swap3A_286 = tpu.vector_load %arg8[%swap3A_285] {strides = array<i32>} : memref<80xi32, #tpu.memory_space<vmem>>, vector<16xi32>,
    %swap3A_287 = vector.shape_cast %swap3A_286 : vector<16xi32> to vector<16xi32>
    %swap3A_288 = vector.shape_cast %and3A_284 : vector<16xi32> to vector<16xi32>
    tpu.vector_store %arg8[%swap3A_285], %swap3A_288 {strides = array<i32>} : memref<80xi32, #tpu.memory_space<vmem>>, vector<16xi32>,
    %shift_right_logical3A_289 = arith.shrui %get3A_283, %broadcast_in_dim3A_5 : vector<16xi32>
    %swap3A_290 = arith.constant 32 : index
    %swap3A_291 = tpu.vector_load %arg11[%swap3A_290] {strides = array<i32>} : memref<80xi32, #tpu.memory_space<vmem>>, vector<16xi32>,
    %swap3A_292 = vector.shape_cast %swap3A_291 : vector<16xi32> to vector<16xi32>
    %swap3A_293 = vector.shape_cast %shift_right_logical3A_289 : vector<16xi32> to vector<16xi32>
    tpu.vector_store %arg11[%swap3A_290], %swap3A_293 {strides = array<i32>} : memref<80xi32, #tpu.memory_space<vmem>>, vector<16xi32>,
    %get3A_294 = arith.constant 1 : i32
    %get3A_295 = arith.index_cast %get3A_294 : i32 to index
    %get3A_296 = arith.constant 48 : index
    %get3A_297 = tpu.vector_load %arg6[%get3A_295, %get3A_296] {strides = array<i32>} : memref<125x80xi32, #tpu.memory_space<vmem>>, vector<1x16xi32>,
    %get3A_298 = vector.shape_cast %get3A_297 : vector<1x16xi32> to vector<16xi32>
    %and3A_299 = arith.andi %get3A_298, %broadcast_in_dim3A_3 : vector<16xi32>
    %swap3A_300 = arith.constant 48 : index
    %swap3A_301 = tpu.vector_load %arg8[%swap3A_300] {strides = array<i32>} : memref<80xi32, #tpu.memory_space<vmem>>, vector<16xi32>,
    %swap3A_302 = vector.shape_cast %swap3A_301 : vector<16xi32> to vector<16xi32>
    %swap3A_303 = vector.shape_cast %and3A_299 : vector<16xi32> to vector<16xi32>
    tpu.vector_store %arg8[%swap3A_300], %swap3A_303 {strides = array<i32>} : memref<80xi32, #tpu.memory_space<vmem>>, vector<16xi32>,
    %shift_right_logical3A_304 = arith.shrui %get3A_298, %broadcast_in_dim3A_5 : vector<16xi32>
    %swap3A_305 = arith.constant 48 : index
    %swap3A_306 = tpu.vector_load %arg11[%swap3A_305] {strides = array<i32>} : memref<80xi32, #tpu.memory_space<vmem>>, vector<16xi32>,
    %swap3A_307 = vector.shape_cast %swap3A_306 : vector<16xi32> to vector<16xi32>
    %swap3A_308 = vector.shape_cast %shift_right_logical3A_304 : vector<16xi32> to vector<16xi32>
    tpu.vector_store %arg11[%swap3A_305], %swap3A_308 {strides = array<i32>} : memref<80xi32, #tpu.memory_space<vmem>>, vector<16xi32>,
    %get3A_309 = arith.constant 1 : i32
    %get3A_310 = arith.index_cast %get3A_309 : i32 to index
    %get3A_311 = arith.constant 64 : index
    %get3A_312 = tpu.vector_load %arg6[%get3A_310, %get3A_311] {strides = array<i32>} : memref<125x80xi32, #tpu.memory_space<vmem>>, vector<1x16xi32>,
    %get3A_313 = vector.shape_cast %get3A_312 : vector<1x16xi32> to vector<16xi32>
    %and3A_314 = arith.andi %get3A_313, %broadcast_in_dim3A_3 : vector<16xi32>
    %swap3A_315 = arith.constant 64 : index
    %swap3A_316 = tpu.vector_load %arg8[%swap3A_315] {strides = array<i32>} : memref<80xi32, #tpu.memory_space<vmem>>, vector<16xi32>,
    %swap3A_317 = vector.shape_cast %swap3A_316 : vector<16xi32> to vector<16xi32>
    %swap3A_318 = vector.shape_cast %and3A_314 : vector<16xi32> to vector<16xi32>
    tpu.vector_store %arg8[%swap3A_315], %swap3A_318 {strides = array<i32>} : memref<80xi32, #tpu.memory_space<vmem>>, vector<16xi32>,
    %shift_right_logical3A_319 = arith.shrui %get3A_313, %broadcast_in_dim3A_5 : vector<16xi32>
    %swap3A_320 = arith.constant 64 : index
    %swap3A_321 = tpu.vector_load %arg11[%swap3A_320] {strides = array<i32>} : memref<80xi32, #tpu.memory_space<vmem>>, vector<16xi32>,
    %swap3A_322 = vector.shape_cast %swap3A_321 : vector<16xi32> to vector<16xi32>
    %swap3A_323 = vector.shape_cast %shift_right_logical3A_319 : vector<16xi32> to vector<16xi32>
    tpu.vector_store %arg11[%swap3A_320], %swap3A_323 {strides = array<i32>} : memref<80xi32, #tpu.memory_space<vmem>>, vector<16xi32>,
    %dma_start3A_324 = arith.constant 0 : i32
    %dma_start3A_325 = arith.constant 0 : i32
    %dma_start3A_326 = tpu.memref_slice %arg2[%dma_start3A_324, %dma_start3A_325] : memref<10000x128xf32, #tpu.memory_space<hbm>> -> memref<10000x128xf32, #tpu.memory_space<hbm>>
    tpu.enqueue_indirect_dma source(%dma_start3A_326 : memref<10000x128xf32, #tpu.memory_space<hbm>>) target(%arg14 : memref<80x128xf32, #tpu.memory_space<vmem>>) offsets(%arg8 : memref<80xi32, #tpu.memory_space<vmem>>) semaphore(%arg19 : memref<!tpu.dma_semaphore, #tpu.memory_space<semaphore_mem>>)
    %get3A_327 = arith.constant 2 : i32
    %get3A_328 = arith.index_cast %get3A_327 : i32 to index
    %get3A_329 = arith.constant 0 : index
    %get3A_330 = tpu.vector_load %arg6[%get3A_328, %get3A_329] {strides = array<i32>} : memref<125x80xi32, #tpu.memory_space<vmem>>, vector<1x16xi32>,
    %get3A_331 = vector.shape_cast %get3A_330 : vector<1x16xi32> to vector<16xi32>
    %and3A_332 = arith.andi %get3A_331, %broadcast_in_dim3A_3 : vector<16xi32>
    %swap3A_333 = arith.constant 0 : index
    %swap3A_334 = tpu.vector_load %arg9[%swap3A_333] {strides = array<i32>} : memref<80xi32, #tpu.memory_space<vmem>>, vector<16xi32>,
    %swap3A_335 = vector.shape_cast %swap3A_334 : vector<16xi32> to vector<16xi32>
    %swap3A_336 = vector.shape_cast %and3A_332 : vector<16xi32> to vector<16xi32>
    tpu.vector_store %arg9[%swap3A_333], %swap3A_336 {strides = array<i32>} : memref<80xi32, #tpu.memory_space<vmem>>, vector<16xi32>,
    %shift_right_logical3A_337 = arith.shrui %get3A_331, %broadcast_in_dim3A_5 : vector<16xi32>
    %swap3A_338 = arith.constant 0 : index
    %swap3A_339 = tpu.vector_load %arg12[%swap3A_338] {strides = array<i32>} : memref<80xi32, #tpu.memory_space<vmem>>, vector<16xi32>,
    %swap3A_340 = vector.shape_cast %swap3A_339 : vector<16xi32> to vector<16xi32>
    %swap3A_341 = vector.shape_cast %shift_right_logical3A_337 : vector<16xi32> to vector<16xi32>
    tpu.vector_store %arg12[%swap3A_338], %swap3A_341 {strides = array<i32>} : memref<80xi32, #tpu.memory_space<vmem>>, vector<16xi32>,
    %get3A_342 = arith.constant 2 : i32
    %get3A_343 = arith.index_cast %get3A_342 : i32 to index
    %get3A_344 = arith.constant 16 : index
    %get3A_345 = tpu.vector_load %arg6[%get3A_343, %get3A_344] {strides = array<i32>} : memref<125x80xi32, #tpu.memory_space<vmem>>, vector<1x16xi32>,
    %get3A_346 = vector.shape_cast %get3A_345 : vector<1x16xi32> to vector<16xi32>
    %and3A_347 = arith.andi %get3A_346, %broadcast_in_dim3A_3 : vector<16xi32>
    %swap3A_348 = arith.constant 16 : index
    %swap3A_349 = tpu.vector_load %arg9[%swap3A_348] {strides = array<i32>} : memref<80xi32, #tpu.memory_space<vmem>>, vector<16xi32>,
    %swap3A_350 = vector.shape_cast %swap3A_349 : vector<16xi32> to vector<16xi32>
    %swap3A_351 = vector.shape_cast %and3A_347 : vector<16xi32> to vector<16xi32>
    tpu.vector_store %arg9[%swap3A_348], %swap3A_351 {strides = array<i32>} : memref<80xi32, #tpu.memory_space<vmem>>, vector<16xi32>,
    %shift_right_logical3A_352 = arith.shrui %get3A_346, %broadcast_in_dim3A_5 : vector<16xi32>
    %swap3A_353 = arith.constant 16 : index
    %swap3A_354 = tpu.vector_load %arg12[%swap3A_353] {strides = array<i32>} : memref<80xi32, #tpu.memory_space<vmem>>, vector<16xi32>,
    %swap3A_355 = vector.shape_cast %swap3A_354 : vector<16xi32> to vector<16xi32>
    %swap3A_356 = vector.shape_cast %shift_right_logical3A_352 : vector<16xi32> to vector<16xi32>
    tpu.vector_store %arg12[%swap3A_353], %swap3A_356 {strides = array<i32>} : memref<80xi32, #tpu.memory_space<vmem>>, vector<16xi32>,
    %get3A_357 = arith.constant 2 : i32
    %get3A_358 = arith.index_cast %get3A_357 : i32 to index
    %get3A_359 = arith.constant 32 : index
    %get3A_360 = tpu.vector_load %arg6[%get3A_358, %get3A_359] {strides = array<i32>} : memref<125x80xi32, #tpu.memory_space<vmem>>, vector<1x16xi32>,
    %get3A_361 = vector.shape_cast %get3A_360 : vector<1x16xi32> to vector<16xi32>
    %and3A_362 = arith.andi %get3A_361, %broadcast_in_dim3A_3 : vector<16xi32>
    %swap3A_363 = arith.constant 32 : index
    %swap3A_364 = tpu.vector_load %arg9[%swap3A_363] {strides = array<i32>} : memref<80xi32, #tpu.memory_space<vmem>>, vector<16xi32>,
    %swap3A_365 = vector.shape_cast %swap3A_364 : vector<16xi32> to vector<16xi32>
    %swap3A_366 = vector.shape_cast %and3A_362 : vector<16xi32> to vector<16xi32>
    tpu.vector_store %arg9[%swap3A_363], %swap3A_366 {strides = array<i32>} : memref<80xi32, #tpu.memory_space<vmem>>, vector<16xi32>,
    %shift_right_logical3A_367 = arith.shrui %get3A_361, %broadcast_in_dim3A_5 : vector<16xi32>
    %swap3A_368 = arith.constant 32 : index
    %swap3A_369 = tpu.vector_load %arg12[%swap3A_368] {strides = array<i32>} : memref<80xi32, #tpu.memory_space<vmem>>, vector<16xi32>,
    %swap3A_370 = vector.shape_cast %swap3A_369 : vector<16xi32> to vector<16xi32>
    %swap3A_371 = vector.shape_cast %shift_right_logical3A_367 : vector<16xi32> to vector<16xi32>
    tpu.vector_store %arg12[%swap3A_368], %swap3A_371 {strides = array<i32>} : memref<80xi32, #tpu.memory_space<vmem>>, vector<16xi32>,
    %get3A_372 = arith.constant 2 : i32
    %get3A_373 = arith.index_cast %get3A_372 : i32 to index
    %get3A_374 = arith.constant 48 : index
    %get3A_375 = tpu.vector_load %arg6[%get3A_373, %get3A_374] {strides = array<i32>} : memref<125x80xi32, #tpu.memory_space<vmem>>, vector<1x16xi32>,
    %get3A_376 = vector.shape_cast %get3A_375 : vector<1x16xi32> to vector<16xi32>
    %and3A_377 = arith.andi %get3A_376, %broadcast_in_dim3A_3 : vector<16xi32>
    %swap3A_378 = arith.constant 48 : index
    %swap3A_379 = tpu.vector_load %arg9[%swap3A_378] {strides = array<i32>} : memref<80xi32, #tpu.memory_space<vmem>>, vector<16xi32>,
    %swap3A_380 = vector.shape_cast %swap3A_379 : vector<16xi32> to vector<16xi32>
    %swap3A_381 = vector.shape_cast %and3A_377 : vector<16xi32> to vector<16xi32>
    tpu.vector_store %arg9[%swap3A_378], %swap3A_381 {strides = array<i32>} : memref<80xi32, #tpu.memory_space<vmem>>, vector<16xi32>,
    %shift_right_logical3A_382 = arith.shrui %get3A_376, %broadcast_in_dim3A_5 : vector<16xi32>
    %swap3A_383 = arith.constant 48 : index
    %swap3A_384 = tpu.vector_load %arg12[%swap3A_383] {strides = array<i32>} : memref<80xi32, #tpu.memory_space<vmem>>, vector<16xi32>,
    %swap3A_385 = vector.shape_cast %swap3A_384 : vector<16xi32> to vector<16xi32>
    %swap3A_386 = vector.shape_cast %shift_right_logical3A_382 : vector<16xi32> to vector<16xi32>
    tpu.vector_store %arg12[%swap3A_383], %swap3A_386 {strides = array<i32>} : memref<80xi32, #tpu.memory_space<vmem>>, vector<16xi32>,
    %get3A_387 = arith.constant 2 : i32
    %get3A_388 = arith.index_cast %get3A_387 : i32 to index
    %get3A_389 = arith.constant 64 : index
    %get3A_390 = tpu.vector_load %arg6[%get3A_388, %get3A_389] {strides = array<i32>} : memref<125x80xi32, #tpu.memory_space<vmem>>, vector<1x16xi32>,
    %get3A_391 = vector.shape_cast %get3A_390 : vector<1x16xi32> to vector<16xi32>
    %and3A_392 = arith.andi %get3A_391, %broadcast_in_dim3A_3 : vector<16xi32>
    %swap3A_393 = arith.constant 64 : index
    %swap3A_394 = tpu.vector_load %arg9[%swap3A_393] {strides = array<i32>} : memref<80xi32, #tpu.memory_space<vmem>>, vector<16xi32>,
    %swap3A_395 = vector.shape_cast %swap3A_394 : vector<16xi32> to vector<16xi32>
    %swap3A_396 = vector.shape_cast %and3A_392 : vector<16xi32> to vector<16xi32>
    tpu.vector_store %arg9[%swap3A_393], %swap3A_396 {strides = array<i32>} : memref<80xi32, #tpu.memory_space<vmem>>, vector<16xi32>,
    %shift_right_logical3A_397 = arith.shrui %get3A_391, %broadcast_in_dim3A_5 : vector<16xi32>
    %swap3A_398 = arith.constant 64 : index
    %swap3A_399 = tpu.vector_load %arg12[%swap3A_398] {strides = array<i32>} : memref<80xi32, #tpu.memory_space<vmem>>, vector<16xi32>,
    %swap3A_400 = vector.shape_cast %swap3A_399 : vector<16xi32> to vector<16xi32>
    %swap3A_401 = vector.shape_cast %shift_right_logical3A_397 : vector<16xi32> to vector<16xi32>
    tpu.vector_store %arg12[%swap3A_398], %swap3A_401 {strides = array<i32>} : memref<80xi32, #tpu.memory_space<vmem>>, vector<16xi32>,
    %dma_start3A_402 = arith.constant 0 : i32
    %dma_start3A_403 = arith.constant 0 : i32
    %dma_start3A_404 = tpu.memref_slice %arg2[%dma_start3A_402, %dma_start3A_403] : memref<10000x128xf32, #tpu.memory_space<hbm>> -> memref<10000x128xf32, #tpu.memory_space<hbm>>
    tpu.enqueue_indirect_dma source(%dma_start3A_404 : memref<10000x128xf32, #tpu.memory_space<hbm>>) target(%arg15 : memref<80x128xf32, #tpu.memory_space<vmem>>) offsets(%arg9 : memref<80xi32, #tpu.memory_space<vmem>>) semaphore(%arg20 : memref<!tpu.dma_semaphore, #tpu.memory_space<semaphore_mem>>)
    %barrier3A = arith.constant 0 : index
    tpu.barrier barrier_id(%barrier3A)
    %scan3A_405 = arith.constant 0 : i32
    %scan3A_406 = arith.constant 0 : i32
    %scan3A_407 = arith.constant 41 : i32
    %scan3A_408 = arith.addi %scan3A_406, %scan3A_407 : i32
    %scan3A_409 = arith.constant 1 : i32
    scf.for %scan3A_448 = %scan3A_406 to %scan3A_408 step %scan3A_409  : i32 {
      %mul3A_449 = arith.constant 3 : i32
      %mul3A_450 = arith.muli %mul3A_449, %scan3A_448 : i32
      %dma_wait3A_451 = arith.constant 0 : i32
      %dma_wait3A_452 = arith.constant 0 : i32
      %dma_wait3A_453 = tpu.memref_slice %arg2[%dma_wait3A_451, %dma_wait3A_452] : memref<10000x128xf32, #tpu.memory_space<hbm>> -> memref<10000x128xf32, #tpu.memory_space<hbm>>
      tpu.wait_indirect_dma semaphore(%arg18 : memref<!tpu.dma_semaphore, #tpu.memory_space<semaphore_mem>>) src(%dma_wait3A_453 : memref<10000x128xf32, #tpu.memory_space<hbm>>) dst(%arg13 : memref<80x128xf32, #tpu.memory_space<vmem>>)
      %dma_start3A_454 = arith.constant 0 : i32
      %dma_start3A_455 = arith.constant 0 : i32
      %dma_start3A_456 = tpu.memref_slice %arg25[%dma_start3A_454, %dma_start3A_455] : memref<10000x128xf32, #tpu.memory_space<vmem_shared>> -> memref<10000x128xf32, #tpu.memory_space<vmem_shared>>
      tpu.enqueue_indirect_dma source(%arg13 : memref<80x128xf32, #tpu.memory_space<vmem>>) target(%dma_start3A_456 : memref<10000x128xf32, #tpu.memory_space<vmem_shared>>) offsets(%arg10 : memref<80xi32, #tpu.memory_space<vmem>>) semaphore(%arg21 : memref<!tpu.dma_semaphore, #tpu.memory_space<semaphore_mem>>) {add = true}
      %dma_start3A_457 = arith.constant 0 : i32
      %dma_start3A_458 = tpu.memref_slice %arg26[%dma_start3A_457] : memref<10000xf32, #tpu.memory_space<vmem_shared>> -> memref<10000xf32, #tpu.memory_space<vmem_shared>>
      tpu.enqueue_indirect_dma source(%arg16 : memref<80xf32, #tpu.memory_space<vmem>>) target(%dma_start3A_458 : memref<10000xf32, #tpu.memory_space<vmem_shared>>) offsets(%arg10 : memref<80xi32, #tpu.memory_space<vmem>>) semaphore(%arg21 : memref<!tpu.dma_semaphore, #tpu.memory_space<semaphore_mem>>) {add = true}
      %dma_wait3A_459 = arith.constant 0 : i32
      %dma_wait3A_460 = arith.constant 0 : i32
      %dma_wait3A_461 = tpu.memref_slice %arg2[%dma_wait3A_459, %dma_wait3A_460] : memref<10000x128xf32, #tpu.memory_space<hbm>> -> memref<10000x128xf32, #tpu.memory_space<hbm>>
      tpu.wait_indirect_dma semaphore(%arg19 : memref<!tpu.dma_semaphore, #tpu.memory_space<semaphore_mem>>) src(%dma_wait3A_461 : memref<10000x128xf32, #tpu.memory_space<hbm>>) dst(%arg14 : memref<80x128xf32, #tpu.memory_space<vmem>>)
      %dma_start3A_462 = arith.constant 0 : i32
      %dma_start3A_463 = arith.constant 0 : i32
      %dma_start3A_464 = tpu.memref_slice %arg25[%dma_start3A_462, %dma_start3A_463] : memref<10000x128xf32, #tpu.memory_space<vmem_shared>> -> memref<10000x128xf32, #tpu.memory_space<vmem_shared>>
      tpu.enqueue_indirect_dma source(%arg14 : memref<80x128xf32, #tpu.memory_space<vmem>>) target(%dma_start3A_464 : memref<10000x128xf32, #tpu.memory_space<vmem_shared>>) offsets(%arg11 : memref<80xi32, #tpu.memory_space<vmem>>) semaphore(%arg22 : memref<!tpu.dma_semaphore, #tpu.memory_space<semaphore_mem>>) {add = true}
      %dma_start3A_465 = arith.constant 0 : i32
      %dma_start3A_466 = tpu.memref_slice %arg26[%dma_start3A_465] : memref<10000xf32, #tpu.memory_space<vmem_shared>> -> memref<10000xf32, #tpu.memory_space<vmem_shared>>
      tpu.enqueue_indirect_dma source(%arg16 : memref<80xf32, #tpu.memory_space<vmem>>) target(%dma_start3A_466 : memref<10000xf32, #tpu.memory_space<vmem_shared>>) offsets(%arg11 : memref<80xi32, #tpu.memory_space<vmem>>) semaphore(%arg22 : memref<!tpu.dma_semaphore, #tpu.memory_space<semaphore_mem>>) {add = true}
      %dma_wait3A_467 = arith.constant 0 : i32
      %dma_wait3A_468 = arith.constant 0 : i32
      %dma_wait3A_469 = tpu.memref_slice %arg2[%dma_wait3A_467, %dma_wait3A_468] : memref<10000x128xf32, #tpu.memory_space<hbm>> -> memref<10000x128xf32, #tpu.memory_space<hbm>>
      tpu.wait_indirect_dma semaphore(%arg20 : memref<!tpu.dma_semaphore, #tpu.memory_space<semaphore_mem>>) src(%dma_wait3A_469 : memref<10000x128xf32, #tpu.memory_space<hbm>>) dst(%arg15 : memref<80x128xf32, #tpu.memory_space<vmem>>)
      %dma_start3A_470 = arith.constant 0 : i32
      %dma_start3A_471 = arith.constant 0 : i32
      %dma_start3A_472 = tpu.memref_slice %arg25[%dma_start3A_470, %dma_start3A_471] : memref<10000x128xf32, #tpu.memory_space<vmem_shared>> -> memref<10000x128xf32, #tpu.memory_space<vmem_shared>>
      tpu.enqueue_indirect_dma source(%arg15 : memref<80x128xf32, #tpu.memory_space<vmem>>) target(%dma_start3A_472 : memref<10000x128xf32, #tpu.memory_space<vmem_shared>>) offsets(%arg12 : memref<80xi32, #tpu.memory_space<vmem>>) semaphore(%arg23 : memref<!tpu.dma_semaphore, #tpu.memory_space<semaphore_mem>>) {add = true}
      %dma_start3A_473 = arith.constant 0 : i32
      %dma_start3A_474 = tpu.memref_slice %arg26[%dma_start3A_473] : memref<10000xf32, #tpu.memory_space<vmem_shared>> -> memref<10000xf32, #tpu.memory_space<vmem_shared>>
      tpu.enqueue_indirect_dma source(%arg16 : memref<80xf32, #tpu.memory_space<vmem>>) target(%dma_start3A_474 : memref<10000xf32, #tpu.memory_space<vmem_shared>>) offsets(%arg12 : memref<80xi32, #tpu.memory_space<vmem>>) semaphore(%arg23 : memref<!tpu.dma_semaphore, #tpu.memory_space<semaphore_mem>>) {add = true}
      %dma_wait3A_475 = arith.constant 0 : i32
      %dma_wait3A_476 = arith.constant 0 : i32
      %dma_wait3A_477 = tpu.memref_slice %arg25[%dma_wait3A_475, %dma_wait3A_476] : memref<10000x128xf32, #tpu.memory_space<vmem_shared>> -> memref<10000x128xf32, #tpu.memory_space<vmem_shared>>
      tpu.wait_indirect_dma semaphore(%arg21 : memref<!tpu.dma_semaphore, #tpu.memory_space<semaphore_mem>>) src(%arg13 : memref<80x128xf32, #tpu.memory_space<vmem>>) dst(%dma_wait3A_477 : memref<10000x128xf32, #tpu.memory_space<vmem_shared>>)
      %dma_wait3A_478 = arith.constant 0 : i32
      %dma_wait3A_479 = tpu.memref_slice %arg26[%dma_wait3A_478] : memref<10000xf32, #tpu.memory_space<vmem_shared>> -> memref<10000xf32, #tpu.memory_space<vmem_shared>>
      tpu.wait_indirect_dma semaphore(%arg21 : memref<!tpu.dma_semaphore, #tpu.memory_space<semaphore_mem>>) src(%arg16 : memref<80xf32, #tpu.memory_space<vmem>>) dst(%dma_wait3A_479 : memref<10000xf32, #tpu.memory_space<vmem_shared>>)
      %add3A_480 = arith.constant 3 : i32
      %add3A_481 = arith.addi %mul3A_450, %add3A_480 : i32
      %add3A_482 = arith.constant 0 : i32
      %add3A_483 = arith.addi %add3A_481, %add3A_482 : i32
      %lt3A = arith.constant 125 : i32
      %lt3A_484 = arith.cmpi slt, %add3A_483, %lt3A : i32
      %convert_element_type3A_485 = arith.extui %lt3A_484 : i1 to i32
      %cond3A_486 = arith.constant 0 : i32
      %cond3A_487 = arith.cmpi ne, %convert_element_type3A_485, %cond3A_486 : i32
      scf.if %cond3A_487 {
        %get3A_516 = arith.index_cast %add3A_483 : i32 to index
        %get3A_517 = arith.constant 0 : index
        %get3A_518 = tpu.vector_load %arg6[%get3A_516, %get3A_517] {strides = array<i32>} : memref<125x80xi32, #tpu.memory_space<vmem>>, vector<1x16xi32>,
        %get3A_519 = vector.shape_cast %get3A_518 : vector<1x16xi32> to vector<16xi32>
        %and3A_520 = arith.andi %get3A_519, %broadcast_in_dim3A_3 : vector<16xi32>
        %swap3A_521 = arith.constant 0 : index
        %swap3A_522 = tpu.vector_load %arg7[%swap3A_521] {strides = array<i32>} : memref<80xi32, #tpu.memory_space<vmem>>, vector<16xi32>,
        %swap3A_523 = vector.shape_cast %swap3A_522 : vector<16xi32> to vector<16xi32>
        %swap3A_524 = vector.shape_cast %and3A_520 : vector<16xi32> to vector<16xi32>
        tpu.vector_store %arg7[%swap3A_521], %swap3A_524 {strides = array<i32>} : memref<80xi32, #tpu.memory_space<vmem>>, vector<16xi32>,
        %shift_right_logical3A_525 = arith.shrui %get3A_519, %broadcast_in_dim3A_5 : vector<16xi32>
        %swap3A_526 = arith.constant 0 : index
        %swap3A_527 = tpu.vector_load %arg10[%swap3A_526] {strides = array<i32>} : memref<80xi32, #tpu.memory_space<vmem>>, vector<16xi32>,
        %swap3A_528 = vector.shape_cast %swap3A_527 : vector<16xi32> to vector<16xi32>
        %swap3A_529 = vector.shape_cast %shift_right_logical3A_525 : vector<16xi32> to vector<16xi32>
        tpu.vector_store %arg10[%swap3A_526], %swap3A_529 {strides = array<i32>} : memref<80xi32, #tpu.memory_space<vmem>>, vector<16xi32>,
        %get3A_530 = arith.index_cast %add3A_483 : i32 to index
        %get3A_531 = arith.constant 16 : index
        %get3A_532 = tpu.vector_load %arg6[%get3A_530, %get3A_531] {strides = array<i32>} : memref<125x80xi32, #tpu.memory_space<vmem>>, vector<1x16xi32>,
        %get3A_533 = vector.shape_cast %get3A_532 : vector<1x16xi32> to vector<16xi32>
        %and3A_534 = arith.andi %get3A_533, %broadcast_in_dim3A_3 : vector<16xi32>
        %swap3A_535 = arith.constant 16 : index
        %swap3A_536 = tpu.vector_load %arg7[%swap3A_535] {strides = array<i32>} : memref<80xi32, #tpu.memory_space<vmem>>, vector<16xi32>,
        %swap3A_537 = vector.shape_cast %swap3A_536 : vector<16xi32> to vector<16xi32>
        %swap3A_538 = vector.shape_cast %and3A_534 : vector<16xi32> to vector<16xi32>
        tpu.vector_store %arg7[%swap3A_535], %swap3A_538 {strides = array<i32>} : memref<80xi32, #tpu.memory_space<vmem>>, vector<16xi32>,
        %shift_right_logical3A_539 = arith.shrui %get3A_533, %broadcast_in_dim3A_5 : vector<16xi32>
        %swap3A_540 = arith.constant 16 : index
        %swap3A_541 = tpu.vector_load %arg10[%swap3A_540] {strides = array<i32>} : memref<80xi32, #tpu.memory_space<vmem>>, vector<16xi32>,
        %swap3A_542 = vector.shape_cast %swap3A_541 : vector<16xi32> to vector<16xi32>
        %swap3A_543 = vector.shape_cast %shift_right_logical3A_539 : vector<16xi32> to vector<16xi32>
        tpu.vector_store %arg10[%swap3A_540], %swap3A_543 {strides = array<i32>} : memref<80xi32, #tpu.memory_space<vmem>>, vector<16xi32>,
        %get3A_544 = arith.index_cast %add3A_483 : i32 to index
        %get3A_545 = arith.constant 32 : index
        %get3A_546 = tpu.vector_load %arg6[%get3A_544, %get3A_545] {strides = array<i32>} : memref<125x80xi32, #tpu.memory_space<vmem>>, vector<1x16xi32>,
        %get3A_547 = vector.shape_cast %get3A_546 : vector<1x16xi32> to vector<16xi32>
        %and3A_548 = arith.andi %get3A_547, %broadcast_in_dim3A_3 : vector<16xi32>
        %swap3A_549 = arith.constant 32 : index
        %swap3A_550 = tpu.vector_load %arg7[%swap3A_549] {strides = array<i32>} : memref<80xi32, #tpu.memory_space<vmem>>, vector<16xi32>,
        %swap3A_551 = vector.shape_cast %swap3A_550 : vector<16xi32> to vector<16xi32>
        %swap3A_552 = vector.shape_cast %and3A_548 : vector<16xi32> to vector<16xi32>
        tpu.vector_store %arg7[%swap3A_549], %swap3A_552 {strides = array<i32>} : memref<80xi32, #tpu.memory_space<vmem>>, vector<16xi32>,
        %shift_right_logical3A_553 = arith.shrui %get3A_547, %broadcast_in_dim3A_5 : vector<16xi32>
        %swap3A_554 = arith.constant 32 : index
        %swap3A_555 = tpu.vector_load %arg10[%swap3A_554] {strides = array<i32>} : memref<80xi32, #tpu.memory_space<vmem>>, vector<16xi32>,
        %swap3A_556 = vector.shape_cast %swap3A_555 : vector<16xi32> to vector<16xi32>
        %swap3A_557 = vector.shape_cast %shift_right_logical3A_553 : vector<16xi32> to vector<16xi32>
        tpu.vector_store %arg10[%swap3A_554], %swap3A_557 {strides = array<i32>} : memref<80xi32, #tpu.memory_space<vmem>>, vector<16xi32>,
        %get3A_558 = arith.index_cast %add3A_483 : i32 to index
        %get3A_559 = arith.constant 48 : index
        %get3A_560 = tpu.vector_load %arg6[%get3A_558, %get3A_559] {strides = array<i32>} : memref<125x80xi32, #tpu.memory_space<vmem>>, vector<1x16xi32>,
        %get3A_561 = vector.shape_cast %get3A_560 : vector<1x16xi32> to vector<16xi32>
        %and3A_562 = arith.andi %get3A_561, %broadcast_in_dim3A_3 : vector<16xi32>
        %swap3A_563 = arith.constant 48 : index
        %swap3A_564 = tpu.vector_load %arg7[%swap3A_563] {strides = array<i32>} : memref<80xi32, #tpu.memory_space<vmem>>, vector<16xi32>,
        %swap3A_565 = vector.shape_cast %swap3A_564 : vector<16xi32> to vector<16xi32>
        %swap3A_566 = vector.shape_cast %and3A_562 : vector<16xi32> to vector<16xi32>
        tpu.vector_store %arg7[%swap3A_563], %swap3A_566 {strides = array<i32>} : memref<80xi32, #tpu.memory_space<vmem>>, vector<16xi32>,
        %shift_right_logical3A_567 = arith.shrui %get3A_561, %broadcast_in_dim3A_5 : vector<16xi32>
        %swap3A_568 = arith.constant 48 : index
        %swap3A_569 = tpu.vector_load %arg10[%swap3A_568] {strides = array<i32>} : memref<80xi32, #tpu.memory_space<vmem>>, vector<16xi32>,
        %swap3A_570 = vector.shape_cast %swap3A_569 : vector<16xi32> to vector<16xi32>
        %swap3A_571 = vector.shape_cast %shift_right_logical3A_567 : vector<16xi32> to vector<16xi32>
        tpu.vector_store %arg10[%swap3A_568], %swap3A_571 {strides = array<i32>} : memref<80xi32, #tpu.memory_space<vmem>>, vector<16xi32>,
        %get3A_572 = arith.index_cast %add3A_483 : i32 to index
        %get3A_573 = arith.constant 64 : index
        %get3A_574 = tpu.vector_load %arg6[%get3A_572, %get3A_573] {strides = array<i32>} : memref<125x80xi32, #tpu.memory_space<vmem>>, vector<1x16xi32>,
        %get3A_575 = vector.shape_cast %get3A_574 : vector<1x16xi32> to vector<16xi32>
        %and3A_576 = arith.andi %get3A_575, %broadcast_in_dim3A_3 : vector<16xi32>
        %swap3A_577 = arith.constant 64 : index
        %swap3A_578 = tpu.vector_load %arg7[%swap3A_577] {strides = array<i32>} : memref<80xi32, #tpu.memory_space<vmem>>, vector<16xi32>,
        %swap3A_579 = vector.shape_cast %swap3A_578 : vector<16xi32> to vector<16xi32>
        %swap3A_580 = vector.shape_cast %and3A_576 : vector<16xi32> to vector<16xi32>
        tpu.vector_store %arg7[%swap3A_577], %swap3A_580 {strides = array<i32>} : memref<80xi32, #tpu.memory_space<vmem>>, vector<16xi32>,
        %shift_right_logical3A_581 = arith.shrui %get3A_575, %broadcast_in_dim3A_5 : vector<16xi32>
        %swap3A_582 = arith.constant 64 : index
        %swap3A_583 = tpu.vector_load %arg10[%swap3A_582] {strides = array<i32>} : memref<80xi32, #tpu.memory_space<vmem>>, vector<16xi32>,
        %swap3A_584 = vector.shape_cast %swap3A_583 : vector<16xi32> to vector<16xi32>
        %swap3A_585 = vector.shape_cast %shift_right_logical3A_581 : vector<16xi32> to vector<16xi32>
        tpu.vector_store %arg10[%swap3A_582], %swap3A_585 {strides = array<i32>} : memref<80xi32, #tpu.memory_space<vmem>>, vector<16xi32>,
        %dma_start3A_586 = arith.constant 0 : i32
        %dma_start3A_587 = arith.constant 0 : i32
        %dma_start3A_588 = tpu.memref_slice %arg2[%dma_start3A_586, %dma_start3A_587] : memref<10000x128xf32, #tpu.memory_space<hbm>> -> memref<10000x128xf32, #tpu.memory_space<hbm>>
        tpu.enqueue_indirect_dma source(%dma_start3A_588 : memref<10000x128xf32, #tpu.memory_space<hbm>>) target(%arg13 : memref<80x128xf32, #tpu.memory_space<vmem>>) offsets(%arg7 : memref<80xi32, #tpu.memory_space<vmem>>) semaphore(%arg18 : memref<!tpu.dma_semaphore, #tpu.memory_space<semaphore_mem>>)
      } else {
      }
      %dma_wait3A_488 = arith.constant 0 : i32
      %dma_wait3A_489 = arith.constant 0 : i32
      %dma_wait3A_490 = tpu.memref_slice %arg25[%dma_wait3A_488, %dma_wait3A_489] : memref<10000x128xf32, #tpu.memory_space<vmem_shared>> -> memref<10000x128xf32, #tpu.memory_space<vmem_shared>>
      tpu.wait_indirect_dma semaphore(%arg22 : memref<!tpu.dma_semaphore, #tpu.memory_space<semaphore_mem>>) src(%arg14 : memref<80x128xf32, #tpu.memory_space<vmem>>) dst(%dma_wait3A_490 : memref<10000x128xf32, #tpu.memory_space<vmem_shared>>)
      %dma_wait3A_491 = arith.constant 0 : i32
      %dma_wait3A_492 = tpu.memref_slice %arg26[%dma_wait3A_491] : memref<10000xf32, #tpu.memory_space<vmem_shared>> -> memref<10000xf32, #tpu.memory_space<vmem_shared>>
      tpu.wait_indirect_dma semaphore(%arg22 : memref<!tpu.dma_semaphore, #tpu.memory_space<semaphore_mem>>) src(%arg16 : memref<80xf32, #tpu.memory_space<vmem>>) dst(%dma_wait3A_492 : memref<10000xf32, #tpu.memory_space<vmem_shared>>)
      %add3A_493 = arith.constant 3 : i32
      %add3A_494 = arith.addi %mul3A_450, %add3A_493 : i32
      %add3A_495 = arith.constant 1 : i32
      %add3A_496 = arith.addi %add3A_494, %add3A_495 : i32
      %lt3A_497 = arith.constant 125 : i32
      %lt3A_498 = arith.cmpi slt, %add3A_496, %lt3A_497 : i32
      %convert_element_type3A_499 = arith.extui %lt3A_498 : i1 to i32
      %cond3A_500 = arith.constant 0 : i32
      %cond3A_501 = arith.cmpi ne, %convert_element_type3A_499, %cond3A_500 : i32
      scf.if %cond3A_501 {
        %get3A_516 = arith.index_cast %add3A_496 : i32 to index
        %get3A_517 = arith.constant 0 : index
        %get3A_518 = tpu.vector_load %arg6[%get3A_516, %get3A_517] {strides = array<i32>} : memref<125x80xi32, #tpu.memory_space<vmem>>, vector<1x16xi32>,
        %get3A_519 = vector.shape_cast %get3A_518 : vector<1x16xi32> to vector<16xi32>
        %and3A_520 = arith.andi %get3A_519, %broadcast_in_dim3A_3 : vector<16xi32>
        %swap3A_521 = arith.constant 0 : index
        %swap3A_522 = tpu.vector_load %arg8[%swap3A_521] {strides = array<i32>} : memref<80xi32, #tpu.memory_space<vmem>>, vector<16xi32>,
        %swap3A_523 = vector.shape_cast %swap3A_522 : vector<16xi32> to vector<16xi32>
        %swap3A_524 = vector.shape_cast %and3A_520 : vector<16xi32> to vector<16xi32>
        tpu.vector_store %arg8[%swap3A_521], %swap3A_524 {strides = array<i32>} : memref<80xi32, #tpu.memory_space<vmem>>, vector<16xi32>,
        %shift_right_logical3A_525 = arith.shrui %get3A_519, %broadcast_in_dim3A_5 : vector<16xi32>
        %swap3A_526 = arith.constant 0 : index
        %swap3A_527 = tpu.vector_load %arg11[%swap3A_526] {strides = array<i32>} : memref<80xi32, #tpu.memory_space<vmem>>, vector<16xi32>,
        %swap3A_528 = vector.shape_cast %swap3A_527 : vector<16xi32> to vector<16xi32>
        %swap3A_529 = vector.shape_cast %shift_right_logical3A_525 : vector<16xi32> to vector<16xi32>
        tpu.vector_store %arg11[%swap3A_526], %swap3A_529 {strides = array<i32>} : memref<80xi32, #tpu.memory_space<vmem>>, vector<16xi32>,
        %get3A_530 = arith.index_cast %add3A_496 : i32 to index
        %get3A_531 = arith.constant 16 : index
        %get3A_532 = tpu.vector_load %arg6[%get3A_530, %get3A_531] {strides = array<i32>} : memref<125x80xi32, #tpu.memory_space<vmem>>, vector<1x16xi32>,
        %get3A_533 = vector.shape_cast %get3A_532 : vector<1x16xi32> to vector<16xi32>
        %and3A_534 = arith.andi %get3A_533, %broadcast_in_dim3A_3 : vector<16xi32>
        %swap3A_535 = arith.constant 16 : index
        %swap3A_536 = tpu.vector_load %arg8[%swap3A_535] {strides = array<i32>} : memref<80xi32, #tpu.memory_space<vmem>>, vector<16xi32>,
        %swap3A_537 = vector.shape_cast %swap3A_536 : vector<16xi32> to vector<16xi32>
        %swap3A_538 = vector.shape_cast %and3A_534 : vector<16xi32> to vector<16xi32>
        tpu.vector_store %arg8[%swap3A_535], %swap3A_538 {strides = array<i32>} : memref<80xi32, #tpu.memory_space<vmem>>, vector<16xi32>,
        %shift_right_logical3A_539 = arith.shrui %get3A_533, %broadcast_in_dim3A_5 : vector<16xi32>
        %swap3A_540 = arith.constant 16 : index
        %swap3A_541 = tpu.vector_load %arg11[%swap3A_540] {strides = array<i32>} : memref<80xi32, #tpu.memory_space<vmem>>, vector<16xi32>,
        %swap3A_542 = vector.shape_cast %swap3A_541 : vector<16xi32> to vector<16xi32>
        %swap3A_543 = vector.shape_cast %shift_right_logical3A_539 : vector<16xi32> to vector<16xi32>
        tpu.vector_store %arg11[%swap3A_540], %swap3A_543 {strides = array<i32>} : memref<80xi32, #tpu.memory_space<vmem>>, vector<16xi32>,
        %get3A_544 = arith.index_cast %add3A_496 : i32 to index
        %get3A_545 = arith.constant 32 : index
        %get3A_546 = tpu.vector_load %arg6[%get3A_544, %get3A_545] {strides = array<i32>} : memref<125x80xi32, #tpu.memory_space<vmem>>, vector<1x16xi32>,
        %get3A_547 = vector.shape_cast %get3A_546 : vector<1x16xi32> to vector<16xi32>
        %and3A_548 = arith.andi %get3A_547, %broadcast_in_dim3A_3 : vector<16xi32>
        %swap3A_549 = arith.constant 32 : index
        %swap3A_550 = tpu.vector_load %arg8[%swap3A_549] {strides = array<i32>} : memref<80xi32, #tpu.memory_space<vmem>>, vector<16xi32>,
        %swap3A_551 = vector.shape_cast %swap3A_550 : vector<16xi32> to vector<16xi32>
        %swap3A_552 = vector.shape_cast %and3A_548 : vector<16xi32> to vector<16xi32>
        tpu.vector_store %arg8[%swap3A_549], %swap3A_552 {strides = array<i32>} : memref<80xi32, #tpu.memory_space<vmem>>, vector<16xi32>,
        %shift_right_logical3A_553 = arith.shrui %get3A_547, %broadcast_in_dim3A_5 : vector<16xi32>
        %swap3A_554 = arith.constant 32 : index
        %swap3A_555 = tpu.vector_load %arg11[%swap3A_554] {strides = array<i32>} : memref<80xi32, #tpu.memory_space<vmem>>, vector<16xi32>,
        %swap3A_556 = vector.shape_cast %swap3A_555 : vector<16xi32> to vector<16xi32>
        %swap3A_557 = vector.shape_cast %shift_right_logical3A_553 : vector<16xi32> to vector<16xi32>
        tpu.vector_store %arg11[%swap3A_554], %swap3A_557 {strides = array<i32>} : memref<80xi32, #tpu.memory_space<vmem>>, vector<16xi32>,
        %get3A_558 = arith.index_cast %add3A_496 : i32 to index
        %get3A_559 = arith.constant 48 : index
        %get3A_560 = tpu.vector_load %arg6[%get3A_558, %get3A_559] {strides = array<i32>} : memref<125x80xi32, #tpu.memory_space<vmem>>, vector<1x16xi32>,
        %get3A_561 = vector.shape_cast %get3A_560 : vector<1x16xi32> to vector<16xi32>
        %and3A_562 = arith.andi %get3A_561, %broadcast_in_dim3A_3 : vector<16xi32>
        %swap3A_563 = arith.constant 48 : index
        %swap3A_564 = tpu.vector_load %arg8[%swap3A_563] {strides = array<i32>} : memref<80xi32, #tpu.memory_space<vmem>>, vector<16xi32>,
        %swap3A_565 = vector.shape_cast %swap3A_564 : vector<16xi32> to vector<16xi32>
        %swap3A_566 = vector.shape_cast %and3A_562 : vector<16xi32> to vector<16xi32>
        tpu.vector_store %arg8[%swap3A_563], %swap3A_566 {strides = array<i32>} : memref<80xi32, #tpu.memory_space<vmem>>, vector<16xi32>,
        %shift_right_logical3A_567 = arith.shrui %get3A_561, %broadcast_in_dim3A_5 : vector<16xi32>
        %swap3A_568 = arith.constant 48 : index
        %swap3A_569 = tpu.vector_load %arg11[%swap3A_568] {strides = array<i32>} : memref<80xi32, #tpu.memory_space<vmem>>, vector<16xi32>,
        %swap3A_570 = vector.shape_cast %swap3A_569 : vector<16xi32> to vector<16xi32>
        %swap3A_571 = vector.shape_cast %shift_right_logical3A_567 : vector<16xi32> to vector<16xi32>
        tpu.vector_store %arg11[%swap3A_568], %swap3A_571 {strides = array<i32>} : memref<80xi32, #tpu.memory_space<vmem>>, vector<16xi32>,
        %get3A_572 = arith.index_cast %add3A_496 : i32 to index
        %get3A_573 = arith.constant 64 : index
        %get3A_574 = tpu.vector_load %arg6[%get3A_572, %get3A_573] {strides = array<i32>} : memref<125x80xi32, #tpu.memory_space<vmem>>, vector<1x16xi32>,
        %get3A_575 = vector.shape_cast %get3A_574 : vector<1x16xi32> to vector<16xi32>
        %and3A_576 = arith.andi %get3A_575, %broadcast_in_dim3A_3 : vector<16xi32>
        %swap3A_577 = arith.constant 64 : index
        %swap3A_578 = tpu.vector_load %arg8[%swap3A_577] {strides = array<i32>} : memref<80xi32, #tpu.memory_space<vmem>>, vector<16xi32>,
        %swap3A_579 = vector.shape_cast %swap3A_578 : vector<16xi32> to vector<16xi32>
        %swap3A_580 = vector.shape_cast %and3A_576 : vector<16xi32> to vector<16xi32>
        tpu.vector_store %arg8[%swap3A_577], %swap3A_580 {strides = array<i32>} : memref<80xi32, #tpu.memory_space<vmem>>, vector<16xi32>,
        %shift_right_logical3A_581 = arith.shrui %get3A_575, %broadcast_in_dim3A_5 : vector<16xi32>
        %swap3A_582 = arith.constant 64 : index
        %swap3A_583 = tpu.vector_load %arg11[%swap3A_582] {strides = array<i32>} : memref<80xi32, #tpu.memory_space<vmem>>, vector<16xi32>,
        %swap3A_584 = vector.shape_cast %swap3A_583 : vector<16xi32> to vector<16xi32>
        %swap3A_585 = vector.shape_cast %shift_right_logical3A_581 : vector<16xi32> to vector<16xi32>
        tpu.vector_store %arg11[%swap3A_582], %swap3A_585 {strides = array<i32>} : memref<80xi32, #tpu.memory_space<vmem>>, vector<16xi32>,
        %dma_start3A_586 = arith.constant 0 : i32
        %dma_start3A_587 = arith.constant 0 : i32
        %dma_start3A_588 = tpu.memref_slice %arg2[%dma_start3A_586, %dma_start3A_587] : memref<10000x128xf32, #tpu.memory_space<hbm>> -> memref<10000x128xf32, #tpu.memory_space<hbm>>
        tpu.enqueue_indirect_dma source(%dma_start3A_588 : memref<10000x128xf32, #tpu.memory_space<hbm>>) target(%arg14 : memref<80x128xf32, #tpu.memory_space<vmem>>) offsets(%arg8 : memref<80xi32, #tpu.memory_space<vmem>>) semaphore(%arg19 : memref<!tpu.dma_semaphore, #tpu.memory_space<semaphore_mem>>)
      } else {
      }
      %dma_wait3A_502 = arith.constant 0 : i32
      %dma_wait3A_503 = arith.constant 0 : i32
      %dma_wait3A_504 = tpu.memref_slice %arg25[%dma_wait3A_502, %dma_wait3A_503] : memref<10000x128xf32, #tpu.memory_space<vmem_shared>> -> memref<10000x128xf32, #tpu.memory_space<vmem_shared>>
      tpu.wait_indirect_dma semaphore(%arg23 : memref<!tpu.dma_semaphore, #tpu.memory_space<semaphore_mem>>) src(%arg15 : memref<80x128xf32, #tpu.memory_space<vmem>>) dst(%dma_wait3A_504 : memref<10000x128xf32, #tpu.memory_space<vmem_shared>>)
      %dma_wait3A_505 = arith.constant 0 : i32
      %dma_wait3A_506 = tpu.memref_slice %arg26[%dma_wait3A_505] : memref<10000xf32, #tpu.memory_space<vmem_shared>> -> memref<10000xf32, #tpu.memory_space<vmem_shared>>
      tpu.wait_indirect_dma semaphore(%arg23 : memref<!tpu.dma_semaphore, #tpu.memory_space<semaphore_mem>>) src(%arg16 : memref<80xf32, #tpu.memory_space<vmem>>) dst(%dma_wait3A_506 : memref<10000xf32, #tpu.memory_space<vmem_shared>>)
      %add3A_507 = arith.constant 3 : i32
      %add3A_508 = arith.addi %mul3A_450, %add3A_507 : i32
      %add3A_509 = arith.constant 2 : i32
      %add3A_510 = arith.addi %add3A_508, %add3A_509 : i32
      %lt3A_511 = arith.constant 125 : i32
      %lt3A_512 = arith.cmpi slt, %add3A_510, %lt3A_511 : i32
      %convert_element_type3A_513 = arith.extui %lt3A_512 : i1 to i32
      %cond3A_514 = arith.constant 0 : i32
      %cond3A_515 = arith.cmpi ne, %convert_element_type3A_513, %cond3A_514 : i32
      scf.if %cond3A_515 {
        %get3A_516 = arith.index_cast %add3A_510 : i32 to index
        %get3A_517 = arith.constant 0 : index
        %get3A_518 = tpu.vector_load %arg6[%get3A_516, %get3A_517] {strides = array<i32>} : memref<125x80xi32, #tpu.memory_space<vmem>>, vector<1x16xi32>,
        %get3A_519 = vector.shape_cast %get3A_518 : vector<1x16xi32> to vector<16xi32>
        %and3A_520 = arith.andi %get3A_519, %broadcast_in_dim3A_3 : vector<16xi32>
        %swap3A_521 = arith.constant 0 : index
        %swap3A_522 = tpu.vector_load %arg9[%swap3A_521] {strides = array<i32>} : memref<80xi32, #tpu.memory_space<vmem>>, vector<16xi32>,
        %swap3A_523 = vector.shape_cast %swap3A_522 : vector<16xi32> to vector<16xi32>
        %swap3A_524 = vector.shape_cast %and3A_520 : vector<16xi32> to vector<16xi32>
        tpu.vector_store %arg9[%swap3A_521], %swap3A_524 {strides = array<i32>} : memref<80xi32, #tpu.memory_space<vmem>>, vector<16xi32>,
        %shift_right_logical3A_525 = arith.shrui %get3A_519, %broadcast_in_dim3A_5 : vector<16xi32>
        %swap3A_526 = arith.constant 0 : index
        %swap3A_527 = tpu.vector_load %arg12[%swap3A_526] {strides = array<i32>} : memref<80xi32, #tpu.memory_space<vmem>>, vector<16xi32>,
        %swap3A_528 = vector.shape_cast %swap3A_527 : vector<16xi32> to vector<16xi32>
        %swap3A_529 = vector.shape_cast %shift_right_logical3A_525 : vector<16xi32> to vector<16xi32>
        tpu.vector_store %arg12[%swap3A_526], %swap3A_529 {strides = array<i32>} : memref<80xi32, #tpu.memory_space<vmem>>, vector<16xi32>,
        %get3A_530 = arith.index_cast %add3A_510 : i32 to index
        %get3A_531 = arith.constant 16 : index
        %get3A_532 = tpu.vector_load %arg6[%get3A_530, %get3A_531] {strides = array<i32>} : memref<125x80xi32, #tpu.memory_space<vmem>>, vector<1x16xi32>,
        %get3A_533 = vector.shape_cast %get3A_532 : vector<1x16xi32> to vector<16xi32>
        %and3A_534 = arith.andi %get3A_533, %broadcast_in_dim3A_3 : vector<16xi32>
        %swap3A_535 = arith.constant 16 : index
        %swap3A_536 = tpu.vector_load %arg9[%swap3A_535] {strides = array<i32>} : memref<80xi32, #tpu.memory_space<vmem>>, vector<16xi32>,
        %swap3A_537 = vector.shape_cast %swap3A_536 : vector<16xi32> to vector<16xi32>
        %swap3A_538 = vector.shape_cast %and3A_534 : vector<16xi32> to vector<16xi32>
        tpu.vector_store %arg9[%swap3A_535], %swap3A_538 {strides = array<i32>} : memref<80xi32, #tpu.memory_space<vmem>>, vector<16xi32>,
        %shift_right_logical3A_539 = arith.shrui %get3A_533, %broadcast_in_dim3A_5 : vector<16xi32>
        %swap3A_540 = arith.constant 16 : index
        %swap3A_541 = tpu.vector_load %arg12[%swap3A_540] {strides = array<i32>} : memref<80xi32, #tpu.memory_space<vmem>>, vector<16xi32>,
        %swap3A_542 = vector.shape_cast %swap3A_541 : vector<16xi32> to vector<16xi32>
        %swap3A_543 = vector.shape_cast %shift_right_logical3A_539 : vector<16xi32> to vector<16xi32>
        tpu.vector_store %arg12[%swap3A_540], %swap3A_543 {strides = array<i32>} : memref<80xi32, #tpu.memory_space<vmem>>, vector<16xi32>,
        %get3A_544 = arith.index_cast %add3A_510 : i32 to index
        %get3A_545 = arith.constant 32 : index
        %get3A_546 = tpu.vector_load %arg6[%get3A_544, %get3A_545] {strides = array<i32>} : memref<125x80xi32, #tpu.memory_space<vmem>>, vector<1x16xi32>,
        %get3A_547 = vector.shape_cast %get3A_546 : vector<1x16xi32> to vector<16xi32>
        %and3A_548 = arith.andi %get3A_547, %broadcast_in_dim3A_3 : vector<16xi32>
        %swap3A_549 = arith.constant 32 : index
        %swap3A_550 = tpu.vector_load %arg9[%swap3A_549] {strides = array<i32>} : memref<80xi32, #tpu.memory_space<vmem>>, vector<16xi32>,
        %swap3A_551 = vector.shape_cast %swap3A_550 : vector<16xi32> to vector<16xi32>
        %swap3A_552 = vector.shape_cast %and3A_548 : vector<16xi32> to vector<16xi32>
        tpu.vector_store %arg9[%swap3A_549], %swap3A_552 {strides = array<i32>} : memref<80xi32, #tpu.memory_space<vmem>>, vector<16xi32>,
        %shift_right_logical3A_553 = arith.shrui %get3A_547, %broadcast_in_dim3A_5 : vector<16xi32>
        %swap3A_554 = arith.constant 32 : index
        %swap3A_555 = tpu.vector_load %arg12[%swap3A_554] {strides = array<i32>} : memref<80xi32, #tpu.memory_space<vmem>>, vector<16xi32>,
        %swap3A_556 = vector.shape_cast %swap3A_555 : vector<16xi32> to vector<16xi32>
        %swap3A_557 = vector.shape_cast %shift_right_logical3A_553 : vector<16xi32> to vector<16xi32>
        tpu.vector_store %arg12[%swap3A_554], %swap3A_557 {strides = array<i32>} : memref<80xi32, #tpu.memory_space<vmem>>, vector<16xi32>,
        %get3A_558 = arith.index_cast %add3A_510 : i32 to index
        %get3A_559 = arith.constant 48 : index
        %get3A_560 = tpu.vector_load %arg6[%get3A_558, %get3A_559] {strides = array<i32>} : memref<125x80xi32, #tpu.memory_space<vmem>>, vector<1x16xi32>,
        %get3A_561 = vector.shape_cast %get3A_560 : vector<1x16xi32> to vector<16xi32>
        %and3A_562 = arith.andi %get3A_561, %broadcast_in_dim3A_3 : vector<16xi32>
        %swap3A_563 = arith.constant 48 : index
        %swap3A_564 = tpu.vector_load %arg9[%swap3A_563] {strides = array<i32>} : memref<80xi32, #tpu.memory_space<vmem>>, vector<16xi32>,
        %swap3A_565 = vector.shape_cast %swap3A_564 : vector<16xi32> to vector<16xi32>
        %swap3A_566 = vector.shape_cast %and3A_562 : vector<16xi32> to vector<16xi32>
        tpu.vector_store %arg9[%swap3A_563], %swap3A_566 {strides = array<i32>} : memref<80xi32, #tpu.memory_space<vmem>>, vector<16xi32>,
        %shift_right_logical3A_567 = arith.shrui %get3A_561, %broadcast_in_dim3A_5 : vector<16xi32>
        %swap3A_568 = arith.constant 48 : index
        %swap3A_569 = tpu.vector_load %arg12[%swap3A_568] {strides = array<i32>} : memref<80xi32, #tpu.memory_space<vmem>>, vector<16xi32>,
        %swap3A_570 = vector.shape_cast %swap3A_569 : vector<16xi32> to vector<16xi32>
        %swap3A_571 = vector.shape_cast %shift_right_logical3A_567 : vector<16xi32> to vector<16xi32>
        tpu.vector_store %arg12[%swap3A_568], %swap3A_571 {strides = array<i32>} : memref<80xi32, #tpu.memory_space<vmem>>, vector<16xi32>,
        %get3A_572 = arith.index_cast %add3A_510 : i32 to index
        %get3A_573 = arith.constant 64 : index
        %get3A_574 = tpu.vector_load %arg6[%get3A_572, %get3A_573] {strides = array<i32>} : memref<125x80xi32, #tpu.memory_space<vmem>>, vector<1x16xi32>,
        %get3A_575 = vector.shape_cast %get3A_574 : vector<1x16xi32> to vector<16xi32>
        %and3A_576 = arith.andi %get3A_575, %broadcast_in_dim3A_3 : vector<16xi32>
        %swap3A_577 = arith.constant 64 : index
        %swap3A_578 = tpu.vector_load %arg9[%swap3A_577] {strides = array<i32>} : memref<80xi32, #tpu.memory_space<vmem>>, vector<16xi32>,
        %swap3A_579 = vector.shape_cast %swap3A_578 : vector<16xi32> to vector<16xi32>
        %swap3A_580 = vector.shape_cast %and3A_576 : vector<16xi32> to vector<16xi32>
        tpu.vector_store %arg9[%swap3A_577], %swap3A_580 {strides = array<i32>} : memref<80xi32, #tpu.memory_space<vmem>>, vector<16xi32>,
        %shift_right_logical3A_581 = arith.shrui %get3A_575, %broadcast_in_dim3A_5 : vector<16xi32>
        %swap3A_582 = arith.constant 64 : index
        %swap3A_583 = tpu.vector_load %arg12[%swap3A_582] {strides = array<i32>} : memref<80xi32, #tpu.memory_space<vmem>>, vector<16xi32>,
        %swap3A_584 = vector.shape_cast %swap3A_583 : vector<16xi32> to vector<16xi32>
        %swap3A_585 = vector.shape_cast %shift_right_logical3A_581 : vector<16xi32> to vector<16xi32>
        tpu.vector_store %arg12[%swap3A_582], %swap3A_585 {strides = array<i32>} : memref<80xi32, #tpu.memory_space<vmem>>, vector<16xi32>,
        %dma_start3A_586 = arith.constant 0 : i32
        %dma_start3A_587 = arith.constant 0 : i32
        %dma_start3A_588 = tpu.memref_slice %arg2[%dma_start3A_586, %dma_start3A_587] : memref<10000x128xf32, #tpu.memory_space<hbm>> -> memref<10000x128xf32, #tpu.memory_space<hbm>>
        tpu.enqueue_indirect_dma source(%dma_start3A_588 : memref<10000x128xf32, #tpu.memory_space<hbm>>) target(%arg15 : memref<80x128xf32, #tpu.memory_space<vmem>>) offsets(%arg9 : memref<80xi32, #tpu.memory_space<vmem>>) semaphore(%arg20 : memref<!tpu.dma_semaphore, #tpu.memory_space<semaphore_mem>>)
      } else {
      }
    }
    %scan3A_410 = arith.constant 41 : i32
    %dma_wait3A_411 = arith.constant 0 : i32
    %dma_wait3A_412 = arith.constant 0 : i32
    %dma_wait3A_413 = tpu.memref_slice %arg2[%dma_wait3A_411, %dma_wait3A_412] : memref<10000x128xf32, #tpu.memory_space<hbm>> -> memref<10000x128xf32, #tpu.memory_space<hbm>>
    tpu.wait_indirect_dma semaphore(%arg18 : memref<!tpu.dma_semaphore, #tpu.memory_space<semaphore_mem>>) src(%dma_wait3A_413 : memref<10000x128xf32, #tpu.memory_space<hbm>>) dst(%arg13 : memref<80x128xf32, #tpu.memory_space<vmem>>)
    %dma_start3A_414 = arith.constant 0 : i32
    %dma_start3A_415 = arith.constant 0 : i32
    %dma_start3A_416 = tpu.memref_slice %arg25[%dma_start3A_414, %dma_start3A_415] : memref<10000x128xf32, #tpu.memory_space<vmem_shared>> -> memref<10000x128xf32, #tpu.memory_space<vmem_shared>>
    tpu.enqueue_indirect_dma source(%arg13 : memref<80x128xf32, #tpu.memory_space<vmem>>) target(%dma_start3A_416 : memref<10000x128xf32, #tpu.memory_space<vmem_shared>>) offsets(%arg10 : memref<80xi32, #tpu.memory_space<vmem>>) semaphore(%arg21 : memref<!tpu.dma_semaphore, #tpu.memory_space<semaphore_mem>>) {add = true}
    %dma_start3A_417 = arith.constant 0 : i32
    %dma_start3A_418 = tpu.memref_slice %arg26[%dma_start3A_417] : memref<10000xf32, #tpu.memory_space<vmem_shared>> -> memref<10000xf32, #tpu.memory_space<vmem_shared>>
    tpu.enqueue_indirect_dma source(%arg16 : memref<80xf32, #tpu.memory_space<vmem>>) target(%dma_start3A_418 : memref<10000xf32, #tpu.memory_space<vmem_shared>>) offsets(%arg10 : memref<80xi32, #tpu.memory_space<vmem>>) semaphore(%arg21 : memref<!tpu.dma_semaphore, #tpu.memory_space<semaphore_mem>>) {add = true}
    %dma_wait3A_419 = arith.constant 0 : i32
    %dma_wait3A_420 = arith.constant 0 : i32
    %dma_wait3A_421 = tpu.memref_slice %arg2[%dma_wait3A_419, %dma_wait3A_420] : memref<10000x128xf32, #tpu.memory_space<hbm>> -> memref<10000x128xf32, #tpu.memory_space<hbm>>
    tpu.wait_indirect_dma semaphore(%arg19 : memref<!tpu.dma_semaphore, #tpu.memory_space<semaphore_mem>>) src(%dma_wait3A_421 : memref<10000x128xf32, #tpu.memory_space<hbm>>) dst(%arg14 : memref<80x128xf32, #tpu.memory_space<vmem>>)
    %dma_start3A_422 = arith.constant 0 : i32
    %dma_start3A_423 = arith.constant 0 : i32
    %dma_start3A_424 = tpu.memref_slice %arg25[%dma_start3A_422, %dma_start3A_423] : memref<10000x128xf32, #tpu.memory_space<vmem_shared>> -> memref<10000x128xf32, #tpu.memory_space<vmem_shared>>
    tpu.enqueue_indirect_dma source(%arg14 : memref<80x128xf32, #tpu.memory_space<vmem>>) target(%dma_start3A_424 : memref<10000x128xf32, #tpu.memory_space<vmem_shared>>) offsets(%arg11 : memref<80xi32, #tpu.memory_space<vmem>>) semaphore(%arg22 : memref<!tpu.dma_semaphore, #tpu.memory_space<semaphore_mem>>) {add = true}
    %dma_start3A_425 = arith.constant 0 : i32
    %dma_start3A_426 = tpu.memref_slice %arg26[%dma_start3A_425] : memref<10000xf32, #tpu.memory_space<vmem_shared>> -> memref<10000xf32, #tpu.memory_space<vmem_shared>>
    tpu.enqueue_indirect_dma source(%arg16 : memref<80xf32, #tpu.memory_space<vmem>>) target(%dma_start3A_426 : memref<10000xf32, #tpu.memory_space<vmem_shared>>) offsets(%arg11 : memref<80xi32, #tpu.memory_space<vmem>>) semaphore(%arg22 : memref<!tpu.dma_semaphore, #tpu.memory_space<semaphore_mem>>) {add = true}
    %dma_wait3A_427 = arith.constant 0 : i32
    %dma_wait3A_428 = arith.constant 0 : i32
    %dma_wait3A_429 = tpu.memref_slice %arg25[%dma_wait3A_427, %dma_wait3A_428] : memref<10000x128xf32, #tpu.memory_space<vmem_shared>> -> memref<10000x128xf32, #tpu.memory_space<vmem_shared>>
    tpu.wait_indirect_dma semaphore(%arg21 : memref<!tpu.dma_semaphore, #tpu.memory_space<semaphore_mem>>) src(%arg13 : memref<80x128xf32, #tpu.memory_space<vmem>>) dst(%dma_wait3A_429 : memref<10000x128xf32, #tpu.memory_space<vmem_shared>>)
    %dma_wait3A_430 = arith.constant 0 : i32
    %dma_wait3A_431 = tpu.memref_slice %arg26[%dma_wait3A_430] : memref<10000xf32, #tpu.memory_space<vmem_shared>> -> memref<10000xf32, #tpu.memory_space<vmem_shared>>
    tpu.wait_indirect_dma semaphore(%arg21 : memref<!tpu.dma_semaphore, #tpu.memory_space<semaphore_mem>>) src(%arg16 : memref<80xf32, #tpu.memory_space<vmem>>) dst(%dma_wait3A_431 : memref<10000xf32, #tpu.memory_space<vmem_shared>>)
    %dma_wait3A_432 = arith.constant 0 : i32
    %dma_wait3A_433 = arith.constant 0 : i32
    %dma_wait3A_434 = tpu.memref_slice %arg25[%dma_wait3A_432, %dma_wait3A_433] : memref<10000x128xf32, #tpu.memory_space<vmem_shared>> -> memref<10000x128xf32, #tpu.memory_space<vmem_shared>>
    tpu.wait_indirect_dma semaphore(%arg22 : memref<!tpu.dma_semaphore, #tpu.memory_space<semaphore_mem>>) src(%arg14 : memref<80x128xf32, #tpu.memory_space<vmem>>) dst(%dma_wait3A_434 : memref<10000x128xf32, #tpu.memory_space<vmem_shared>>)
    %dma_wait3A_435 = arith.constant 0 : i32
    %dma_wait3A_436 = tpu.memref_slice %arg26[%dma_wait3A_435] : memref<10000xf32, #tpu.memory_space<vmem_shared>> -> memref<10000xf32, #tpu.memory_space<vmem_shared>>
    tpu.wait_indirect_dma semaphore(%arg22 : memref<!tpu.dma_semaphore, #tpu.memory_space<semaphore_mem>>) src(%arg16 : memref<80xf32, #tpu.memory_space<vmem>>) dst(%dma_wait3A_436 : memref<10000xf32, #tpu.memory_space<vmem_shared>>)
    %barrier3A_437 = arith.constant 0 : index
    tpu.barrier barrier_id(%barrier3A_437)
    "tpu.region"() ({
      %run_scoped3A = tpu.sem_alloc : memref<!tpu.dma_semaphore, #tpu.memory_space<semaphore_mem>>
      %dma_start3A_448 = arith.constant 0 : i32
      %dma_start3A_449 = tpu.memref_slice %arg4[%arg0, %mul3A_110, %dma_start3A_448] : memref<2x10000x128xf32, #tpu.memory_space<hbm>> -> memref<1x624x128xf32, #tpu.memory_space<hbm>>
      %dma_start3A_450 = tpu.memref_squeeze %dma_start3A_449 : memref<1x624x128xf32, #tpu.memory_space<hbm>> -> memref<624x128xf32, #tpu.memory_space<hbm>>
      %dma_start3A_451 = arith.constant 0 : i32
      %dma_start3A_452 = tpu.memref_slice %arg25[%mul3A_110, %dma_start3A_451] : memref<10000x128xf32, #tpu.memory_space<vmem_shared>> -> memref<624x128xf32, #tpu.memory_space<vmem_shared>>
      tpu.enqueue_dma source(%dma_start3A_452 : memref<624x128xf32, #tpu.memory_space<vmem_shared>>) target(%dma_start3A_450 : memref<624x128xf32, #tpu.memory_space<hbm>>) target_semaphore(%run_scoped3A : memref<!tpu.dma_semaphore, #tpu.memory_space<semaphore_mem>>)
      %dma_wait3A_453 = arith.constant 0 : i32
      %dma_wait3A_454 = tpu.memref_slice %arg4[%arg0, %mul3A_110, %dma_wait3A_453] : memref<2x10000x128xf32, #tpu.memory_space<hbm>> -> memref<1x624x128xf32, #tpu.memory_space<hbm>>
      %dma_wait3A_455 = tpu.memref_squeeze %dma_wait3A_454 : memref<1x624x128xf32, #tpu.memory_space<hbm>> -> memref<624x128xf32, #tpu.memory_space<hbm>>
      %dma_wait3A_456 = arith.constant 0 : i32
      %dma_wait3A_457 = tpu.memref_slice %arg25[%mul3A_110, %dma_wait3A_456] : memref<10000x128xf32, #tpu.memory_space<vmem_shared>> -> memref<624x128xf32, #tpu.memory_space<vmem_shared>>
      tpu.wait_dma2 semaphore(%run_scoped3A : memref<!tpu.dma_semaphore, #tpu.memory_space<semaphore_mem>>) src(%dma_wait3A_457 : memref<624x128xf32, #tpu.memory_space<vmem_shared>>) dst(%dma_wait3A_455 : memref<624x128xf32, #tpu.memory_space<hbm>>)
      tpu.yield
    }) : () -> ()
    %eq3A_438 = arith.constant 15 : i32
    %eq3A_439 = arith.cmpi eq, %arg1, %eq3A_438 : i32
    %convert_element_type3A_440 = arith.extui %eq3A_439 : i1 to i32
    %cond3A_441 = arith.constant 0 : i32
    %cond3A_442 = arith.cmpi ne, %convert_element_type3A_440, %cond3A_441 : i32
    scf.if %cond3A_442 {
      "tpu.region"() ({
        %run_scoped3A = tpu.sem_alloc : memref<!tpu.dma_semaphore, #tpu.memory_space<semaphore_mem>>
        %dma_start3A_448 = arith.constant 9984 : i32
        %dma_start3A_449 = arith.constant 0 : i32
        %dma_start3A_450 = tpu.memref_slice %arg4[%arg0, %dma_start3A_448, %dma_start3A_449] : memref<2x10000x128xf32, #tpu.memory_space<hbm>> -> memref<1x16x128xf32, #tpu.memory_space<hbm>>
        %dma_start3A_451 = tpu.memref_squeeze %dma_start3A_450 : memref<1x16x128xf32, #tpu.memory_space<hbm>> -> memref<16x128xf32, #tpu.memory_space<hbm>>
        %dma_start3A_452 = arith.constant 9984 : i32
        %dma_start3A_453 = arith.constant 0 : i32
        %dma_start3A_454 = tpu.memref_slice %arg25[%dma_start3A_452, %dma_start3A_453] : memref<10000x128xf32, #tpu.memory_space<vmem_shared>> -> memref<16x128xf32, #tpu.memory_space<vmem_shared>>
        tpu.enqueue_dma source(%dma_start3A_454 : memref<16x128xf32, #tpu.memory_space<vmem_shared>>) target(%dma_start3A_451 : memref<16x128xf32, #tpu.memory_space<hbm>>) target_semaphore(%run_scoped3A : memref<!tpu.dma_semaphore, #tpu.memory_space<semaphore_mem>>)
        %dma_wait3A_455 = arith.constant 9984 : i32
        %dma_wait3A_456 = arith.constant 0 : i32
        %dma_wait3A_457 = tpu.memref_slice %arg4[%arg0, %dma_wait3A_455, %dma_wait3A_456] : memref<2x10000x128xf32, #tpu.memory_space<hbm>> -> memref<1x16x128xf32, #tpu.memory_space<hbm>>
        %dma_wait3A_458 = tpu.memref_squeeze %dma_wait3A_457 : memref<1x16x128xf32, #tpu.memory_space<hbm>> -> memref<16x128xf32, #tpu.memory_space<hbm>>
        %dma_wait3A_459 = arith.constant 9984 : i32
        %dma_wait3A_460 = arith.constant 0 : i32
        %dma_wait3A_461 = tpu.memref_slice %arg25[%dma_wait3A_459, %dma_wait3A_460] : memref<10000x128xf32, #tpu.memory_space<vmem_shared>> -> memref<16x128xf32, #tpu.memory_space<vmem_shared>>
        tpu.wait_dma2 semaphore(%run_scoped3A : memref<!tpu.dma_semaphore, #tpu.memory_space<semaphore_mem>>) src(%dma_wait3A_461 : memref<16x128xf32, #tpu.memory_space<vmem_shared>>) dst(%dma_wait3A_458 : memref<16x128xf32, #tpu.memory_space<hbm>>)
        tpu.yield
      }) : () -> ()
    } else {
    }
    %eq3A_443 = arith.constant 0 : i32
    %eq3A_444 = arith.cmpi eq, %arg1, %eq3A_443 : i32
    %convert_element_type3A_445 = arith.extui %eq3A_444 : i1 to i32
    %cond3A_446 = arith.constant 0 : i32
    %cond3A_447 = arith.cmpi ne, %convert_element_type3A_445, %cond3A_446 : i32
    scf.if %cond3A_447 {
      "tpu.region"() ({
        %run_scoped3A = tpu.sem_alloc : memref<!tpu.dma_semaphore, #tpu.memory_space<semaphore_mem>>
        %dma_start3A_448 = arith.constant 0 : i32
        %dma_start3A_449 = tpu.memref_slice %arg5[%arg0, %dma_start3A_448] : memref<2x10000xf32, #tpu.memory_space<hbm>> -> memref<1x10000xf32, #tpu.memory_space<hbm>>
        %dma_start3A_450 = tpu.memref_squeeze %dma_start3A_449 : memref<1x10000xf32, #tpu.memory_space<hbm>> -> memref<10000xf32, #tpu.memory_space<hbm>>
        tpu.enqueue_dma source(%arg26 : memref<10000xf32, #tpu.memory_space<vmem_shared>>) target(%dma_start3A_450 : memref<10000xf32, #tpu.memory_space<hbm>>) target_semaphore(%run_scoped3A : memref<!tpu.dma_semaphore, #tpu.memory_space<semaphore_mem>>)
        %dma_wait3A_451 = arith.constant 0 : i32
        %dma_wait3A_452 = tpu.memref_slice %arg5[%arg0, %dma_wait3A_451] : memref<2x10000xf32, #tpu.memory_space<hbm>> -> memref<1x10000xf32, #tpu.memory_space<hbm>>
        %dma_wait3A_453 = tpu.memref_squeeze %dma_wait3A_452 : memref<1x10000xf32, #tpu.memory_space<hbm>> -> memref<10000xf32, #tpu.memory_space<hbm>>
        tpu.wait_dma2 semaphore(%run_scoped3A : memref<!tpu.dma_semaphore, #tpu.memory_space<semaphore_mem>>) src(%arg26 : memref<10000xf32, #tpu.memory_space<vmem_shared>>) dst(%dma_wait3A_453 : memref<10000xf32, #tpu.memory_space<hbm>>)
        tpu.yield
      }) : () -> ()
    } else {
    }
    return
  }
}

module attributes {stable_mosaic.version = 14 : i64} {
  func.func @_tc_body(%arg0: i32, %arg1: memref<2000x128xf32, #tpu.memory_space<vmem>>, %arg2: memref<2x2000x128xf32, #tpu.memory_space<vmem>>, %arg3: memref<2000x2xf32, #tpu.memory_space<vmem>>, %arg4: memref<128x128xf32, #tpu.memory_space<vmem>>, %arg5: memref<128x128xf32, #tpu.memory_space<vmem>>, %arg6: memref<2000x128xf32, #tpu.memory_space<vmem>>) attributes {dimension_semantics = [#tpu.dimension_semantics<arbitrary>], iteration_bounds = array<i64: 5>, scalar_prefetch = 0 : i64, scratch_operands = 0 : i64, tpu.core_type = #tpu.core_type<tc>, window_params = [{transform_indices = @transform_0, window_bounds = array<i64: 2000, 128>}, {transform_indices = @transform_1, window_bounds = array<i64: 2, 2000, 128>}, {transform_indices = @transform_2, window_bounds = array<i64: 2000, 2>}, {pipeline_mode = #tpu.pipeline_mode<synchronous>, transform_indices = @transform_3, window_bounds = array<i64: 128, 128>}, {pipeline_mode = #tpu.pipeline_mode<synchronous>, transform_indices = @transform_4, window_bounds = array<i64: 128, 128>}, {transform_indices = @transform_5, window_bounds = array<i64: 2000, 128>}]} {
    %get3A = arith.constant 0 : index
    %get3A_0 = arith.constant 0 : index
    %get3A_1 = vector.load %arg3[%get3A, %get3A_0] : memref<2000x2xf32, #tpu.memory_space<vmem>>, vector<2000x1xf32>
    %get3A_2 = arith.constant 0 : index
    %get3A_3 = arith.constant 1 : index
    %get3A_4 = vector.load %arg3[%get3A_2, %get3A_3] : memref<2000x2xf32, #tpu.memory_space<vmem>>, vector<2000x1xf32>
    %add3A = arith.addf %get3A_1, %get3A_4 : vector<2000x1xf32>
    %max3A = arith.constant 1.000000e+00 : f32
    %max3A_5 = vector.broadcast %max3A : f32 to vector<2000x1xf32>
    %max3A_6 = arith.maximumf %add3A, %max3A_5 : vector<2000x1xf32>
    %div3A = arith.constant 1.000000e+00 : f32
    %div3A_7 = vector.broadcast %div3A : f32 to vector<2000x1xf32>
    %div3A_8 = arith.divf %div3A_7, %max3A_6 : vector<2000x1xf32>
    %get3A_9 = arith.constant 0 : index
    %get3A_10 = arith.constant 0 : index
    %get3A_11 = arith.constant 0 : index
    %get3A_12 = vector.load %arg2[%get3A_9, %get3A_10, %get3A_11] : memref<2x2000x128xf32, #tpu.memory_space<vmem>>, vector<1x2000x128xf32>
    %get3A_13 = vector.shape_cast %get3A_12 : vector<1x2000x128xf32> to vector<2000x128xf32>
    %get3A_14 = arith.constant 1 : index
    %get3A_15 = arith.constant 0 : index
    %get3A_16 = arith.constant 0 : index
    %get3A_17 = vector.load %arg2[%get3A_14, %get3A_15, %get3A_16] : memref<2x2000x128xf32, #tpu.memory_space<vmem>>, vector<1x2000x128xf32>
    %get3A_18 = vector.shape_cast %get3A_17 : vector<1x2000x128xf32> to vector<2000x128xf32>
    %add3A_19 = arith.addf %get3A_13, %get3A_18 : vector<2000x128xf32>
    %mul3A = vector.broadcast %div3A_8 : vector<2000x1xf32> to vector<2000x128xf32>
    %mul3A_20 = arith.mulf %add3A_19, %mul3A : vector<2000x128xf32>
    %get3A_21 = arith.constant 0 : index
    %get3A_22 = arith.constant 0 : index
    %get3A_23 = vector.load %arg1[%get3A_21, %get3A_22] : memref<2000x128xf32, #tpu.memory_space<vmem>>, vector<2000x128xf32>
    %get3A_24 = arith.constant 0 : index
    %get3A_25 = arith.constant 0 : index
    %get3A_26 = vector.load %arg4[%get3A_24, %get3A_25] : memref<128x128xf32, #tpu.memory_space<vmem>>, vector<128x128xf32>
    %dot_general3A = arith.constant dense<0.000000e+00> : vector<2000x128xf32>
    %dot_general3A_27 = tpu.matmul %get3A_23, %get3A_26, %dot_general3A {dimension_numbers = #tpu.dot_dimension_numbers<[1], [0], [0], [1], [0, 0, 1, 1], [], []>, transpose_lhs_hint = false} : vector<2000x128xf32>, vector<128x128xf32>, vector<2000x128xf32> -> vector<2000x128xf32>
    %get3A_28 = arith.constant 0 : index
    %get3A_29 = arith.constant 0 : index
    %get3A_30 = vector.load %arg5[%get3A_28, %get3A_29] : memref<128x128xf32, #tpu.memory_space<vmem>>, vector<128x128xf32>
    %dot_general3A_31 = arith.constant dense<0.000000e+00> : vector<2000x128xf32>
    %dot_general3A_32 = tpu.matmul %mul3A_20, %get3A_30, %dot_general3A_31 {dimension_numbers = #tpu.dot_dimension_numbers<[1], [0], [0], [1], [0, 0, 1, 1], [], []>, transpose_lhs_hint = false} : vector<2000x128xf32>, vector<128x128xf32>, vector<2000x128xf32> -> vector<2000x128xf32>
    %add3A_33 = arith.addf %dot_general3A_27, %dot_general3A_32 : vector<2000x128xf32>
    %max3A_34 = arith.constant 0.000000e+00 : f32
    %max3A_35 = vector.broadcast %max3A_34 : f32 to vector<2000x128xf32>
    %max3A_36 = arith.maximumf %add3A_33, %max3A_35 : vector<2000x128xf32>
    %mul3A_37 = arith.mulf %max3A_36, %max3A_36 : vector<2000x128xf32>
    %reduce_sum3A = arith.constant dense<0.000000e+00> : vector<2000xf32>
    %reduce_sum3A_38 = vector.multi_reduction <add>, %mul3A_37, %reduce_sum3A [1] : vector<2000x128xf32> to vector<2000xf32>
    %broadcast_in_dim3A = vector.shape_cast %reduce_sum3A_38 : vector<2000xf32> to vector<2000x1xf32>
    %gt3A = arith.constant 0.000000e+00 : f32
    %gt3A_39 = vector.broadcast %gt3A : f32 to vector<2000x1xf32>
    %gt3A_40 = arith.cmpf ogt, %broadcast_in_dim3A, %gt3A_39 : vector<2000x1xf32>
    %rsqrt3A = math.rsqrt %broadcast_in_dim3A : vector<2000x1xf32>
    %jit3A = arith.constant 1.000000e+00 : f32
    %broadcast_in_dim3A_41 = vector.broadcast %jit3A : f32 to vector<2000x1xf32>
    %select_n3A = arith.select %gt3A_40, %rsqrt3A, %broadcast_in_dim3A_41 : vector<2000x1xi1>, vector<2000x1xf32>
    %mul3A_42 = vector.broadcast %select_n3A : vector<2000x1xf32> to vector<2000x128xf32>
    %mul3A_43 = arith.mulf %max3A_36, %mul3A_42 : vector<2000x128xf32>
    %swap3A = arith.constant 0 : index
    %swap3A_44 = arith.constant 0 : index
    %swap3A_45 = vector.load %arg6[%swap3A, %swap3A_44] : memref<2000x128xf32, #tpu.memory_space<vmem>>, vector<2000x128xf32>
    tpu.vector_store %arg6[%swap3A, %swap3A_44], %mul3A_43 {strides = array<i32>} : memref<2000x128xf32, #tpu.memory_space<vmem>>, vector<2000x128xf32>,
    return
  }
  func.func @transform_0(%arg0: i32) -> (i32, i32) {
    %c0_i32 = arith.constant 0 : i32
    %c0_i32_0 = arith.constant 0 : i32
    return %arg0, %c0_i32 : i32, i32
  }
  func.func @transform_1(%arg0: i32) -> (i32, i32, i32) {
    %c0_i32 = arith.constant 0 : i32
    %c0_i32_0 = arith.constant 0 : i32
    %c0_i32_1 = arith.constant 0 : i32
    return %c0_i32, %arg0, %c0_i32_0 : i32, i32, i32
  }
  func.func @transform_2(%arg0: i32) -> (i32, i32) {
    %c0_i32 = arith.constant 0 : i32
    %c0_i32_0 = arith.constant 0 : i32
    return %arg0, %c0_i32 : i32, i32
  }
  func.func @transform_3(%arg0: i32) -> (i32, i32) {
    %c0_i32 = arith.constant 0 : i32
    %c0_i32_0 = arith.constant 0 : i32
    %c0_i32_1 = arith.constant 0 : i32
    return %c0_i32, %c0_i32_0 : i32, i32
  }
  func.func @transform_4(%arg0: i32) -> (i32, i32) {
    %c0_i32 = arith.constant 0 : i32
    %c0_i32_0 = arith.constant 0 : i32
    %c0_i32_1 = arith.constant 0 : i32
    return %c0_i32, %c0_i32_0 : i32, i32
  }
  func.func @transform_5(%arg0: i32) -> (i32, i32) {
    %c0_i32 = arith.constant 0 : i32
    %c0_i32_0 = arith.constant 0 : i32
    return %arg0, %c0_i32 : i32, i32
  }
}

</mosaic_0001>

<sc_bundles>
// kernel: kernel.4.cloned.1.call-start
scs
__scs_entry_jumppad:
0x0: {  	(pc) =	sbr.rel $0x88, $3  }
0x1: {  	(tag) =	ssettag $0x0;
	lr =	simm.s32 $0x1  }
0x2: {  	[smem:$0x3F9C] =	sst lr;
	_ =	strace $0xD0000000  }
0x3: {  	_ = 	snop  }
0x4: {  	_ = 	snop  }
0x5: {  	_ = 	snop  }
0x6: {  	_ = 	snop  }
0x7: {  	_ = 	snop  }
__scs_overlays_trampoline_lowered:
0x8: {  	[smem:$0x3FAB] =	sst s0  }
0x9: {  	[smem:$0x3FAC] =	sst s1  }
0xa: {  	[smem:$0x3FAD] =	sst s2  }
0xb: {  	[smem:$0x3FAE] =	sst s3  }
0xc: {  	[smem:$0x3FAF] =	sst s4  }
0xd: {  	[smem:$0x3FB0] =	sst s5  }
0xe: {  	[smem:$0x3FB1] =	sst s6  }
0xf: {  	[smem:$0x3FB2] =	sst s7  }
0x10: {  	[smem:$0x3FB3] =	sst s8  }
0x11: {  	[smem:$0x3FB4] =	sst s9;
	s0 =	simm.s32 @!p0 $0x0  }
0x12: {  	s1 =	sld [smem:$0x3F9A];
	s0 =	simm.s32 @p0 $0x1  }
0x13: {  	[smem:$0x3FB5] =	sst s0;
	s0 =	simm.s32 @!p1 $0x0  }
0x14: {  	s2 =	sld [smem:$0x3F99];
	s0 =	simm.s32 @p1 $0x1  }
0x15: {  	[smem:$0x3FB6] =	sst s0;
	s0 =	simm.s32 @!p2 $0x0  }
0x16: {  	s3 =	sld [smem:$0x3FDB];
	s0 =	simm.s32 @p2 $0x1  }
0x17: {  	s4 =	simm.s32 $0x1BF5;
	[smem:$0x3FB8] =	sst s0  }
0x18: {  	s0 =	sld [smem:$0x3F9B];
	_ =	swait.ge [sflag:s4], $0x0  }
0x19: {  	s7 =	sld [smem:$0x3F9C]  }
0x1a: {  	s8 =	sadd.s32 $0xFFFFE003, lr  }
0x1b: {  	s9 =	sadd.s32 $0xFFFFFEF7, lr;
	s5 =	simm.s32 $0xFFFFFFFF;
	p2 =	slt.u32 s8, $0xFFFFF086  }
0x1c: {  	p1 =	slt.u32 s9, $0xF7A;
	s5 =	simm.s32 @!p2 $0x0  }
0x1d: {  	s5 =	simm.s32 @p1 $0x1;
	p0 =	seq.s32 s7, s2  }
0x1e: {  	s7 =	smul.u32 @!p0 $0xF7A, s2;
	p2 =	seq.s32 @!p0 s5, $0x0  }
0x1f: {  	s9 =	smul.u32 $0xF7A, s1;
	s8 =	simm.s32 @!p0 $0x1BF5;
	p2 =	por !p2, p0  }
0x20: {  	[sflag:s8] =	ssyncset.s32 @!p0 $0xFFFFF086;
	s6 =	sadd.s32 @!p0 s3, s7;
	s7 =	simm.s32 @!p0 $0x108  }
0x21: {  	s3 =	sadd.s32 s3, s9;
	s6 =	sadd.s32 @!p0 $0x88, s6;
	s7 =	simm.s32 @p2 $0x1082  }
0x22: {  	[simem:s7], [sflag:s8] =	dma.local @!p0 [hbm:s6], $0xF7A  }
0x23: {  	s9 =	sor.u32 $0xD0000000, s2;
	s6 =	simm.s32 $0x108;
	_ =	swait.ge @!p0 [sflag:s8], $0x0  }
0x24: {  	s3 =	sadd.s32 $0x88, s3;
	s6 =	simm.s32 @!p1 $0x1082;
	[sflag:s4] =	ssyncset.s32 $0xFFFFF086  }
0x25: {  	[simem:s6], [sflag:s4] =	dma.local [hbm:s3], $0xF7A  }
0x26: {  	[smem:$0x3F9C] =	sst s1;
	(tag) =	ssettag s2;
	_ =	strace s9  }
0x27: {  	s1 =	sld [smem:$0x3FAC]  }
0x28: {  	s2 =	sld [smem:$0x3FAD]  }
0x29: {  	s4 =	sld [smem:$0x3FAF]  }
0x2a: {  	p0 =	seq.s32 s5, $0x0;
	s5 =	sld [smem:$0x3FB0]  }
0x2b: {  	s6 =	sld [smem:$0x3FB1]  }
0x2c: {  	s7 =	sld [smem:$0x3FB2]  }
0x2d: {  	s3 =	simm.s32 $0x108;
	s8 =	sld [smem:$0x3FB3]  }
0x2e: {  	s3 =	simm.s32 @!p0 $0x1082;
	s9 =	sld [smem:$0x3FB4]  }
0x2f: {  	lr =	sadd.s32 s0, s3;
	s0 =	sld [smem:$0x3FAB]  }
0x30: {  	s3 =	sld [smem:$0x3FAE]  }
0x31: {  	[smem:$0x3FB7] =	sst s10  }
0x32: {  	s10 =	sld [smem:$0x3FB5];
	_ =	sdelay $0x3  }
0x33: {  	p0 =	seq.s32 s10, $0x1;
	s10 =	sld [smem:$0x3FB7];
	_ =	sdelay $0x3  }
0x34: {  	[smem:$0x3FB7] =	sst s10  }
0x35: {  	s10 =	sld [smem:$0x3FB6];
	_ =	sdelay $0x3  }
0x36: {  	p1 =	seq.s32 s10, $0x1;
	s10 =	sld [smem:$0x3FB7];
	_ =	sdelay $0x3  }
0x37: {  	[smem:$0x3FB7] =	sst s10  }
0x38: {  	s10 =	sld [smem:$0x3FB8]  }
0x39: {  	_ = 	snop;
	(pc) =	sbr.ind lr, $3  }
0x3a: {  	_ = 	snop  }
0x3b: {  	_ = 	snop  }
0x3c: {  	p2 =	seq.s32 s10, $0x1;
	s10 =	sld [smem:$0x3FB7]  }
0x3d: {  	_ =	shalt  }
0x3e: {  	_ =	shalt  }
0x3f: {  	_ =	shalt  }
0x40: {  	_ =	shalt  }
0x41: {  	_ =	shalt  }
0x42: {  	_ =	shalt  }
0x43: {  	_ =	shalt  }
0x44: {  	_ =	shalt  }
0x45: {  	_ =	shalt  }
0x46: {  	_ =	shalt  }
0x47: {  	_ =	shalt  }
0x48: {  	_ =	shalt  }
0x49: {  	_ =	shalt  }
0x4a: {  	_ =	shalt  }
0x4b: {  	_ =	shalt  }
0x4c: {  	_ =	shalt  }
0x4d: {  	_ =	shalt  }
0x4e: {  	_ =	shalt  }
0x4f: {  	_ =	shalt  }
0x50: {  	_ =	shalt  }
0x51: {  	_ =	shalt  }
0x52: {  	_ =	shalt  }
0x53: {  	_ =	shalt  }
0x54: {  	_ =	shalt  }
0x55: {  	_ =	shalt  }
0x56: {  	_ =	shalt  }
0x57: {  	_ =	shalt  }
0x58: {  	_ =	shalt  }
0x59: {  	_ =	shalt  }
0x5a: {  	_ =	shalt  }
0x5b: {  	_ =	shalt  }
0x5c: {  	_ =	shalt  }
0x5d: {  	_ =	shalt  }
0x5e: {  	_ =	shalt  }
0x5f: {  	_ =	shalt  }
0x60: {  	_ =	shalt  }
0x61: {  	_ =	shalt  }
0x62: {  	_ =	shalt  }
0x63: {  	_ =	shalt  }
0x64: {  	_ =	shalt  }
0x65: {  	_ =	shalt  }
0x66: {  	_ =	shalt  }
0x67: {  	_ =	shalt  }
0x68: {  	_ =	shalt  }
0x69: {  	_ =	shalt  }
0x6a: {  	_ =	shalt  }
0x6b: {  	_ =	shalt  }
0x6c: {  	_ =	shalt  }
0x6d: {  	_ =	shalt  }
0x6e: {  	_ =	shalt  }
0x6f: {  	_ =	shalt  }
0x70: {  	_ =	shalt  }
0x71: {  	_ =	shalt  }
0x72: {  	_ =	shalt  }
0x73: {  	_ =	shalt  }
0x74: {  	_ =	shalt  }
0x75: {  	_ =	shalt  }
0x76: {  	_ =	shalt  }
0x77: {  	_ =	shalt  }
0x78: {  	_ =	shalt  }
0x79: {  	_ =	shalt  }
0x7a: {  	_ =	shalt  }
0x7b: {  	_ =	shalt  }
0x7c: {  	_ =	shalt  }
0x7d: {  	_ =	shalt  }
0x7e: {  	_ =	shalt  }
0x7f: {  	_ =	shalt  }
0x80: {  	_ =	shalt  }
0x81: {  	_ =	shalt  }
0x82: {  	_ =	shalt  }
0x83: {  	_ =	shalt  }
0x84: {  	_ =	shalt  }
0x85: {  	_ =	shalt  }
0x86: {  	_ =	shalt  }
0x87: {  	_ =	shalt  }
.Lfunc_end0:
.L_simem_size_0:
called_computation_lowered:
.L_overlay_start_0:
0x88: {  	s2 =	sld [smem:$0x3FD9]  }
0x89: {  	s3 =	sld [smem:$0x3FFE];
	_ =	sdelay $0x1  }
0x8a: {  	s1 =	srdreg.scid  }
0x8b: {  	s0 =	sand.u32 $0x1, s1  }
0x8c: {  	s17 =	sshll.u32 s0, $0xA;
	s2 =	sadd.s32 s3, s2  }
0x8d: {  	s2 =	sadd.s32 s2, s17  }
0x8e: {  	[smem:$0x3FC3] =	sst s2  }
0x8f: {  	_ = 	snop  }
0x90: {  	s2 =	sld [smem:$0x3FC9]  }
0x91: {  	s18 =	sld [smem:$0x3FD0];
	(tm) =	ssettm $0x1  }
0x92: {  	s4 =	sld [smem:$0x3FFB];
	_ =	sdelay $0x3  }
0x93: {  	_ =	strace s4  }
0x94: {  	s4 =	sld [smem:$0x3FFC];
	_ =	sdelay $0x3  }
0x95: {  	_ =	strace s4  }
0x96: {  	s4 =	sld [smem:$0x3FFD];
	_ =	sdelay $0x3  }
0x97: {  	_ =	strace s4  }
0x98: {  	_ =	strace $0x8FFFFFFF  }
0x99: {  	s19 =	sld [smem:$0x3FDB];
	_ =	sdelay $0x1  }
0x9a: {  	s5 =	simm.s32 $_scs_section_size  }
0x9b: {  	s6 =	simm.s32 $_size__tile_overlayer_lowered;
	s7 =	simm.s32 $_tile_overlayer_lowered  }
0x9c: {  	s22 =	simm.s32 $0x1BFF;
	s21 =	sshll.u32 s7, $0x1;
	s4 =	sadd.s32 s5, s19  }
0x9d: {  	s8 =	simm.s32 $0x0;
	s20 =	sshll.u32 s6, $0x1;
	s6 =	sadd.s32 s21, s4  }
0x9e: {  	[timem:s8], [sflag:s22] =	dma.local [hbm:s6], s20  }
0x9f: {  	_ =	swait.ge [sflag:s22], s20  }
0xa0: {  	s5 =	ssub.s32 $0x0, s20;
	[sflag:s22] =	ssyncset.done $0x0  }
0xa1: {  	[sflag:s22] =	ssyncadd.s32 s5;
	_ =	sdelay $0x1  }
0xa2: {  	s23 =	simm.s32 $0x1B8B  }
0xa3: {  	_ =	swait.ge [sflag:s23], $0x1  }
0xa4: {  	[sflag:s23] =	ssyncset.done $0x0  }
0xa5: {  	s25 =	simm.s32 $0x1B8E;
	s24 =	sld [smem:$0x3FFE];
	[sflag:s23] =	ssyncadd.s32 $0xFFFFFFFF  }
0xa6: {  	s26 =	simm.s32 $execute0_lowered;
	[smem:$0x3FD2] =	sst s25  }
0xa7: {  	s6 =	sshll.u32 s26, $0x1;
	_ =	strace $0x80000046;
	[dreg:$0x1] =	wrdreg $0xFFFFFFFF  }
0xa8: {  	s28 =	simm.s32 $_size_execute0_lowered;
	s4 =	sadd.s32 s4, s6;
	[dreg:$0x0] =	wrdreg $0x0  }
0xa9: {  	s6 =	sshll.u32 s28, $0x1;
	[dreg:$0x2] =	wrdreg s4  }
0xaa: {  	[dreg:$0x3] =	wrdreg s6  }
0xab: {  	[dreg:$0x4] =	wrdreg $0xC0  }
0xac: {  	_ =	task [dreg:s8], $0x5FFFF  }
0xad: {  	[dreg:$0x1] =	wrdreg $0xFFFFFFFF  }
0xae: {  	[dreg:$0x0] =	wrdreg $0x60  }
0xaf: {  	[dreg:$0x2] =	wrdreg s2  }
0xb0: {  	[dreg:$0x3] =	wrdreg s18  }
0xb1: {  	[dreg:$0x4] =	wrdreg s24  }
0xb2: {  	[dreg:$0x5] =	wrdreg $0xA3C00  }
0xb3: {  	[dreg:$0x6] =	wrdreg $0x1DC400  }
0xb4: {  	[dreg:$0x7] =	wrdreg $0x9  }
0xb5: {  	_ =	task.clear_ibuf [dreg:s8], $0x8FFFF;
	_ =	strace $0x90000046  }
0xb6: {  	s29 =	simm.s32 $0x9;
	_ =	strace $0x80000048  }
0xb7: {  	_ =	swait.ge [sflag:s29], $0x1  }
0xb8: {  	[sflag:s29] =	ssyncadd.s32 $0xFFFFFFFF  }
0xb9: {  	_ =	strace $0x90000048  }
0xba: {  	_ =	sfence  }
0xbb: {  	s30 =	sld [smem:$0x0];
	_ =	sdelay $0x2  }
0xbc: {  	s31 =	sshll.u32 s1, $0xD;
	s1 =	sshrl.u32 s1, $0x2  }
0xbd: {  	s3 =	sand.u32 $0x4000, s31;
	s1 =	sadd.s32 s1, s30  }
0xbe: {  	s0 =	sor.u32 s3, s0;
	s1 =	sshll.u32 s1, $0x11  }
0xbf: {  	s0 =	sor.u32 s1, s0  }
0xc0: {  	s0 =	sadd.s32 $0x8F2B, s0  }
0xc1: {  	[sflag:s0] =	ssyncadd.remote.s32 $0x1  }
0xc2: {  	_ =	sfence.sel $0xFFFF  }
0xc3: {  	[dreg:$0x0] =	wrdreg $0xFFFFFFFF;
	(pc) =	sbr.abs _section_cstart, $3  }
0xc4: {  	[dreg:$0x1] =	wrdreg $0xFFFFFFFF  }
0xc5: {  	_ =	task.clear_ibuf [dreg:s8], $0x2FFFF;
	_ =	strace $0x9FFFFFFF  }
0xc6: {  	(tm) =	ssettm $0x7FFFFFFF  }
0xc7: {  	_ =	shalt  }
tec
execute0_lowered:
.L_overlay_start_1:
0x0: {  	(tag) =	ssettag $0x1  }
0x1: {  	s1 =	rddreg [dreg:$0x0]  }
0x2: {  	s0 =	rddreg [dreg:$0x1]  }
0x3: {  	s4 =	rddreg [dreg:$0x2]  }
0x4: {  	s2 =	rddreg [dreg:$0x3]  }
0x5: {  	s3 =	rddreg [dreg:$0x4];
	s5 =	simm.s32 $0x0;
	s11 =	srdreg.scid  }
0x6: {  	s28 =	simm.s32 $0x7;
	[smem:$0x7FF] =	sst s5;
	s5 =	sand.u32 $0x1, s11  }
0x7: {  	s29 =	simm.s32 $0x50;
	s11 =	stileid.u32;
	s7 =	smul.u32 $0x4E2, s5  }
0x8: {  	s30 =	simm.s32 $0x2710;
	s31 =	simm.s32 $0x2760;
	s10 =	smul.u32 $0x4E200, s11  }
0x9: {  	s6 =	sadd.s32 $0x1C00, s4;
	s26 =	sadd.s32 $0x2700, s3;
	s14 =	smul.u32 $0x9C0, s11  }
0xa: {  	_ =	strace $0x80000047;
	s8 =	sshll.u32 s5, $0x4;
	s15 =	smul.u32 $0x138800, s5  }
0xb: {  	s9 =	ssub.s32 $0x2, s5;
	s18 =	smul.u32 $0x13800, s11;
	[dreg:$0xf] =	wrdreg s26  }
0xc: {  	p0 =	seq.s32 s11, $0x0;
	p1 =	sne.s32 s11, $0xF;
	s26 =	simm.s32 $0x1  }
0xd: {  	s8 =	sor.u32 s11, s8;
	s12 =	sshrl.u32 s9, $0x1;
	p2 =	sne.s32 @!p0 s11, $0xF  }
0xe: {  	s11 =	simm.s32 $0x28A0;
	s4 =	sadd.s32 s7, s4;
	s8 =	smul.u32 $0x4E2, s8  }
0xf: {  	s9 =	ssub.s32 s9, s12;
	s13 =	sshrl.u32 s10, $0x2;
	s23 =	sshrl.u32 s14, $0x2  }
0x10: {  	s24 =	sadd.s32 s18, s15;
	s5 =	sadd.s32 s18, s2;
	p2 =	por p2, p0  }
0x11: {  	s10 =	simm.s32 $0x3;
	s7 =	sadd.s32 s13, s2;
	s0 =	sadd.s32 s0, s8  }
0x12: {  	s14 =	simm.s32 $0x6;
	s16 =	sadd.s32 $0x2800, s7;
	[dreg:$0x6] =	wrdreg s0  }
0x13: {  	s25 =	sshrl.u32 s24, $0x3;
	s17 =	sadd.s32 $0x5000, s7;
	[dreg:$0x7] =	wrdreg s16  }
0x14: {  	s18 =	sadd.s32 $0x1200, s4;
	s19 =	sadd.s32 $0x7800, s7;
	[dreg:$0x8] =	wrdreg s17  }
0x15: {  	s24 =	sshrl.u32 s5, $0x3;
	s20 =	sadd.s32 $0xA000, s7;
	[dreg:$0x9] =	wrdreg s19  }
0x16: {  	s4 =	simm.s32 $0x27B0;
	s21 =	sadd.s32 $0xC800, s7;
	[dreg:$0xa] =	wrdreg s20  }
0x17: {  	s5 =	simm.s32 $0x2800;
	s22 =	sadd.s32 $0xF000, s7;
	[dreg:$0xb] =	wrdreg s21  }
0x18: {  	s13 =	simm.s32 $0x5;
	s12 =	sadd.s32 $0x11800, s7;
	[dreg:$0xc] =	wrdreg s22  }
0x19: {  	s8 =	sadd.s32 s23, s3;
	s23 =	simm.s32 $0x8;
	[dreg:$0xd] =	wrdreg s12  }
0x1a: {  	[dreg:$0xe] =	wrdreg s8;
	s8 =	sadd.s32 s6, s25;
	s0 =	sshrl.u32 s15, $0x3  }
.Ltmp0:
0x1b: {  	s20 =	smax.u32 s9, $0x1;
	s21 =	simm.s32 $0x28F0;
	(pc) =	sbr.rel .LBB2_1-.Ltmp0, $4  }
0x1c: {  	s22 =	simm.s32 $0x78F0;
	s9 =	simm.s32 $0x2850;
	s12 =	simm.s32 $0x4  }
0x1d: {  	s15 =	simm.s32 $0x0;
	[dreg:$0x10] =	wrdreg s8;
	s0 =	sadd.s32 s6, s0  }
0x1e: {  	s6 =	simm.s32 $0xA0F0;
	s19 =	sadd.s32 $0x27000, s0;
	s0 =	sadd.s32 $0x138000, s2  }
0x1f: {  	v0 =	vimm.f32 $0.0e+00;
	v1 =	vimm.f32 $1.000000000e+00;
	s8 =	simm.s32 $0x2;
	s25 =	sshrl.u32 @!p2 s0, $0x3;
	s0 =	simm.s32 $0x50F0  }
.LBB2_6:
0x20: {  	_ =	swait.ge [sflag:s26], $0x2800  }
0x21: {  	[sflag:s26] =	ssyncset.done $0x0  }
0x22: {  	[sflag:s26] =	ssyncadd.s32 $0xFFFFD800  }
0x23: {  	[spmem:s2] =	stream.indirect.scatter.add.f32 [tilespmem:s21], [sflag:$0x4], $0x80, s5, s29, $0xb8;
	[tilespmem:$0x1DEB8] =	vst v63  }
0x24: {  	_ = 	snop  }
0x25: {  	[spmem:s3] =	stream.indirect.scatter.add.f32 [tilespmem:s6], [sflag:$0x4], $0x1, s5, s29, $0xb8;
	[tilespmem:$0x1DEB8] =	vst v63  }
0x26: {  	_ =	swait.ge [sflag:s8], $0x2800  }
0x27: {  	[sflag:s8] =	ssyncset.done $0x0  }
0x28: {  	[sflag:s8] =	ssyncadd.s32 $0xFFFFD800  }
0x29: {  	[spmem:s2] =	stream.indirect.scatter.add.f32 [tilespmem:s0], [sflag:$0x5], $0x80, s9, s29, $0xb8;
	[tilespmem:$0x1DEB8] =	vst v63  }
0x2a: {  	_ = 	snop  }
0x2b: {  	[spmem:s3] =	stream.indirect.scatter.add.f32 [tilespmem:s6], [sflag:$0x5], $0x1, s9, s29, $0xb8;
	[tilespmem:$0x1DEB8] =	vst v63  }
0x2c: {  	_ =	swait.ge [sflag:s12], $0x2800  }
0x2d: {  	[sflag:s12] =	ssyncset.done $0x0  }
0x2e: {  	[sflag:s12] =	ssyncadd.s32 $0xFFFFD800  }
0x2f: {  	_ =	swait.ge [sflag:s12], $0x50  }
0x30: {  	[sflag:s12] =	ssyncset.done $0x0  }
0x31: {  	[sflag:s12] =	ssyncadd.s32 $0xFFFFFFB0  }
0x32: {  	_ =	swait.ge [sflag:s13], $0x2800  }
0x33: {  	[sflag:s13] =	ssyncset.done $0x0  }
0x34: {  	[sflag:s13] =	ssyncadd.s32 $0xFFFFD800  }
0x35: {  	_ =	swait.ge [sflag:s13], $0x50  }
0x36: {  	[sflag:s13] =	ssyncset.done $0x0  }
0x37: {  	s16 =	stileid.u32;
	[sflag:s13] =	ssyncadd.s32 $0xFFFFFFB0  }
0x38: {  	s16 =	sshll.u32 s16, $0x6;
	[bflag:$0x0] =	sbarrier.arrive $0xFFFF  }
0x39: {  	s16 =	sor.u32 $0x1C08, s16;
	s17 =	rddreg [dreg:$0x10]  }
0x3a: {  	[hbm:s17], [sflag:s16] =	dma.local [spmem:s24], $0x2700  }
0x3b: {  	_ =	swait.ge [sflag:s23], $0x2700  }
0x3c: {  	[sflag:s23] =	ssyncset.done $0x0  }
0x3d: {  	s17 =	sshrl.u32 @p0 s3, $0x3;
	[sflag:s23] =	ssyncadd.s32 $0xFFFFD900  }
0x3e: {  	[hbm:s18], [sflag:s16] =	dma.local @p0 [spmem:s17], $0x4E2  }
0x3f: {  	s17 =	simm.s32 @p0 $0x8  }
0x40: {  	_ =	swait.ge @p0 [sflag:s17], $0x4E2  }
0x41: {  	s15 =	sadd.s32 $0x1, s15;
	[sflag:s17] =	ssyncset.done @p0 $0x0  }
0x42: {  	p3 =	sne.s32 s15, s20;
	[sflag:s17] =	ssyncadd.s32 @p0 $0xFFFFFB1E  }
0x43: {  	[hbm:s19], [sflag:s16] =	dma.local @!p2 [spmem:s25], $0x100  }
.Ltmp1:
0x44: {  	_ = 	snop;
	(pc) =	sbr.rel @!p3 .LBB2_7-.Ltmp1, $4  }
0x45: {  	s16 =	simm.s32 @!p2 $0x8  }
0x46: {  	_ =	swait.ge @!p2 [sflag:s16], $0x100  }
0x47: {  	[sflag:s16] =	ssyncset.done @!p2 $0x0  }
0x48: {  	[sflag:s16] =	ssyncadd.s32 @!p2 $0xFFFFFF00  }
.LBB2_1:
0x49: {  	s16 =	simm.s32 $0x0;
	s17 =	rddreg [dreg:$0x6]  }
0x4a: {  	[tilespmem:s16], [sflag:$0x1] =	stream.linear.gather [hbm4b:s17+s16], $0x2710, $0x38;
	[tilespmem:$0x1DEB8] =	vst v63  }
0x4b: {  	s16 =	simm.s32 $0x0;
	s17 =	simm.s32 $0x200  }
.LBB2_2:
0x4c: {  	p3 =	sne.s32 s17, $0x9E00;
	[tilespmem:s16+$0x2960] =	vst v0  }
0x4d: {  	[tilespmem:s16+$0x28F0] =	vst v0  }
0x4e: {  	[tilespmem:s16+$0x2900] =	vst v0  }
.Ltmp2:
0x4f: {  	[tilespmem:s16+$0x2910] =	vst v0;
	(pc) =	sbr.rel @p3 .LBB2_2-.Ltmp2, $4  }
0x50: {  	[tilespmem:s16+$0x2920] =	vst v0  }
0x51: {  	[tilespmem:s16+$0x2930] =	vst v0  }
0x52: {  	[tilespmem:s16+$0x2940] =	vst v0  }
0x53: {  	[tilespmem:s16+$0x2950] =	vst v0;
	s16 =	sshra.s32 s17, $0x2;
	s17 =	sadd.s32 $0x200, s17  }
0x54: {  	[tilespmem:s16+$0x2960] =	vst v0  }
0x55: {  	[tilespmem:s16+$0x28F0] =	vst v0  }
0x56: {  	[tilespmem:s16+$0x2900] =	vst v0  }
0x57: {  	[tilespmem:s16+$0x2910] =	vst v0  }
0x58: {  	[tilespmem:s16+$0x2920] =	vst v0  }
0x59: {  	[tilespmem:s16+$0x2930] =	vst v0  }
0x5a: {  	[tilespmem:s16+$0x2940] =	vst v0  }
0x5b: {  	[tilespmem:s16+$0x2950] =	vst v0  }
0x5c: {  	[tilespmem:$0xA0F0] =	vst v1  }
0x5d: {  	[tilespmem:$0xA100] =	vst v1  }
0x5e: {  	[tilespmem:$0xA110] =	vst v1  }
0x5f: {  	[tilespmem:$0xA120] =	vst v1  }
0x60: {  	[tilespmem:$0xA130] =	vst v1  }
0x61: {  	[tilespmem:$0xA140] =	vst v0  }
0x62: {  	[tilespmem:$0xA150] =	vst v0  }
0x63: {  	[tilespmem:$0xA160] =	vst v0  }
0x64: {  	[tilespmem:$0xA170] =	vst v0  }
0x65: {  	[tilespmem:$0xA180] =	vst v0  }
0x66: {  	[tilespmem:$0xA190] =	vst v0  }
0x67: {  	[tilespmem:$0xA1A0] =	vst v0  }
0x68: {  	[tilespmem:$0xA1B0] =	vst v0  }
0x69: {  	[tilespmem:$0xA1C0] =	vst v0  }
0x6a: {  	[tilespmem:$0xA1D0] =	vst v0  }
0x6b: {  	[tilespmem:$0xA1E0] =	vst v0  }
0x6c: {  	[tilespmem:$0xA1F0] =	vst v0  }
0x6d: {  	[tilespmem:$0xA200] =	vst v0  }
0x6e: {  	[tilespmem:$0xA210] =	vst v0  }
0x6f: {  	[tilespmem:$0xA220] =	vst v0  }
0x70: {  	[tilespmem:$0xA230] =	vst v0  }
0x71: {  	[tilespmem:$0xA240] =	vst v0  }
0x72: {  	[tilespmem:$0xA250] =	vst v0  }
0x73: {  	[tilespmem:$0xA260] =	vst v0  }
0x74: {  	[tilespmem:$0xA270] =	vst v0  }
0x75: {  	[tilespmem:$0xA280] =	vst v0  }
0x76: {  	[tilespmem:$0xA290] =	vst v0  }
0x77: {  	[tilespmem:$0xA2A0] =	vst v0  }
0x78: {  	[tilespmem:$0xA2B0] =	vst v0  }
0x79: {  	[tilespmem:$0xA2C0] =	vst v0  }
0x7a: {  	[tilespmem:$0xA2D0] =	vst v0  }
0x7b: {  	[tilespmem:$0xA2E0] =	vst v0  }
0x7c: {  	[tilespmem:$0xA2F0] =	vst v0  }
0x7d: {  	[tilespmem:$0xA300] =	vst v0  }
0x7e: {  	[tilespmem:$0xA310] =	vst v0  }
0x7f: {  	[tilespmem:$0xA320] =	vst v0  }
0x80: {  	[tilespmem:$0xA330] =	vst v0  }
0x81: {  	[tilespmem:$0xA340] =	vst v0  }
0x82: {  	[tilespmem:$0xA350] =	vst v0  }
0x83: {  	[tilespmem:$0xA360] =	vst v0  }
0x84: {  	[tilespmem:$0xA370] =	vst v0  }
0x85: {  	[tilespmem:$0xA380] =	vst v0  }
0x86: {  	[tilespmem:$0xA390] =	vst v0  }
0x87: {  	[tilespmem:$0xA3A0] =	vst v0  }
0x88: {  	[tilespmem:$0xA3B0] =	vst v0  }
0x89: {  	[spmem:s7] =	stream.linear.scatter [tilespmem:s21], [sflag:$0x7], $0x2800, $0x38;
	[tilespmem:$0x1DEB8] =	vst v63  }
0x8a: {  	s17 =	rddreg [dreg:$0x7]  }
0x8b: {  	[spmem:s17] =	stream.linear.scatter [tilespmem:s21], [sflag:$0x7], $0x2800, $0x38;
	[tilespmem:$0x1DEB8] =	vst v63  }
0x8c: {  	s17 =	rddreg [dreg:$0x8]  }
0x8d: {  	[spmem:s17] =	stream.linear.scatter [tilespmem:s21], [sflag:$0x7], $0x2800, $0x38;
	[tilespmem:$0x1DEB8] =	vst v63  }
0x8e: {  	s17 =	rddreg [dreg:$0x9]  }
0x8f: {  	[spmem:s17] =	stream.linear.scatter [tilespmem:s21], [sflag:$0x7], $0x2800, $0x38;
	[tilespmem:$0x1DEB8] =	vst v63  }
0x90: {  	s17 =	rddreg [dreg:$0xa]  }
0x91: {  	[spmem:s17] =	stream.linear.scatter [tilespmem:s21], [sflag:$0x7], $0x2800, $0x38;
	[tilespmem:$0x1DEB8] =	vst v63  }
0x92: {  	s17 =	rddreg [dreg:$0xb]  }
0x93: {  	[spmem:s17] =	stream.linear.scatter [tilespmem:s21], [sflag:$0x7], $0x2800, $0x38;
	[tilespmem:$0x1DEB8] =	vst v63  }
0x94: {  	s17 =	rddreg [dreg:$0xc]  }
0x95: {  	[spmem:s17] =	stream.linear.scatter [tilespmem:s21], [sflag:$0x7], $0x2800, $0x38;
	[tilespmem:$0x1DEB8] =	vst v63  }
0x96: {  	s17 =	rddreg [dreg:$0xd]  }
0x97: {  	[spmem:s17] =	stream.linear.scatter [tilespmem:s21], [sflag:$0x7], $0x2080, $0x38;
	[tilespmem:$0x1DEB8] =	vst v63  }
0x98: {  	s16 =	rddreg [dreg:$0xe];
	s17 =	simm.s32 $0xA140  }
0x99: {  	[spmem:s16] =	stream.linear.scatter [tilespmem:s17], [sflag:$0x8], $0x270, $0x38;
	[tilespmem:$0x1DEB8] =	vst v63  }
0x9a: {  	_ =	swait.ge [sflag:s23], $0x270  }
0x9b: {  	[sflag:s23] =	ssyncset.done $0x0  }
0x9c: {  	s16 =	simm.s32 @!p1 $0xA140;
	s17 =	rddreg [dreg:$0xf];
	[sflag:s23] =	ssyncadd.s32 $0xFFFFFD90  }
0x9d: {  	[spmem:s17] =	stream.linear.scatter @!p1 [tilespmem:s16], [sflag:$0x8], $0x10, $0x38;
	[tilespmem:$0x1DEB8] =	vst v63  }
0x9e: {  	s16 =	simm.s32 @!p1 $0x8  }
0x9f: {  	_ =	swait.ge @!p1 [sflag:s16], $0x10  }
0xa0: {  	[sflag:s16] =	ssyncset.done @!p1 $0x0  }
0xa1: {  	[sflag:s16] =	ssyncadd.s32 @!p1 $0xFFFFFFF0  }
0xa2: {  	_ =	swait.ge [sflag:s26], $0x2710  }
0xa3: {  	[sflag:s26] =	ssyncset.done $0x0  }
0xa4: {  	[sflag:s26] =	ssyncadd.s32 $0xFFFFD8F0  }
0xa5: {  	_ =	swait.ge [sflag:s28], $0x2800  }
0xa6: {  	[sflag:s28] =	ssyncset.done $0x0  }
0xa7: {  	[sflag:s28] =	ssyncadd.s32 $0xFFFFD800  }
0xa8: {  	_ =	swait.ge [sflag:s28], $0x2800  }
0xa9: {  	[sflag:s28] =	ssyncset.done $0x0  }
0xaa: {  	[sflag:s28] =	ssyncadd.s32 $0xFFFFD800  }
0xab: {  	_ =	swait.ge [sflag:s28], $0x2800  }
0xac: {  	[sflag:s28] =	ssyncset.done $0x0  }
0xad: {  	[sflag:s28] =	ssyncadd.s32 $0xFFFFD800  }
0xae: {  	_ =	swait.ge [sflag:s28], $0x2800  }
0xaf: {  	[sflag:s28] =	ssyncset.done $0x0  }
0xb0: {  	[sflag:s28] =	ssyncadd.s32 $0xFFFFD800  }
0xb1: {  	_ =	swait.ge [sflag:s28], $0x2800  }
0xb2: {  	[sflag:s28] =	ssyncset.done $0x0  }
0xb3: {  	[sflag:s28] =	ssyncadd.s32 $0xFFFFD800  }
0xb4: {  	_ =	swait.ge [sflag:s28], $0x2800  }
0xb5: {  	[sflag:s28] =	ssyncset.done $0x0  }
0xb6: {  	[sflag:s28] =	ssyncadd.s32 $0xFFFFD800  }
0xb7: {  	_ =	swait.ge [sflag:s28], $0x2800  }
0xb8: {  	[sflag:s28] =	ssyncset.done $0x0  }
0xb9: {  	[sflag:s28] =	ssyncadd.s32 $0xFFFFD800  }
0xba: {  	_ =	swait.ge [sflag:s28], $0x2080  }
0xbb: {  	[sflag:s28] =	ssyncset.done $0x0  }
0xbc: {  	[sflag:s28] =	ssyncadd.s32 $0xFFFFDF80  }
0xbd: {  	v2 =	vld [tilespmem:$0x0];
	_ =	sdelay $0x1  }
0xbe: {  	v3 =	vld [tilespmem:$0x10];
	_ =	sdelay $0x1  }
0xbf: {  	v4 =	vld [tilespmem:$0x20]  }
0xc0: {  	v5 =	vand.u32 $0xFFFF, v2  }
0xc1: {  	v57 =	vld [tilespmem:$0x30];
	v2 =	vshrl.u32 v2, $0x10;
	[tilespmem:$0x2710] =	vst v5  }
0xc2: {  	[tilespmem:$0x2800] =	vst v2;
	v2 =	vand.u32 $0xFFFF, v3  }
0xc3: {  	[tilespmem:$0x2720] =	vst v2;
	v2 =	vshrl.u32 v3, $0x10;
	v3 =	vld [tilespmem:$0x40]  }
0xc4: {  	[tilespmem:$0x2810] =	vst v2;
	v2 =	vand.u32 $0xFFFF, v4  }
0xc5: {  	[tilespmem:$0x2730] =	vst v2;
	v2 =	vshrl.u32 v4, $0x10  }
0xc6: {  	[tilespmem:$0x2820] =	vst v2;
	v2 =	vand.u32 $0xFFFF, v57  }
0xc7: {  	[tilespmem:$0x2740] =	vst v2;
	v2 =	vshrl.u32 v57, $0x10  }
0xc8: {  	[tilespmem:$0x2830] =	vst v2;
	v2 =	vand.u32 $0xFFFF, v3  }
0xc9: {  	[tilespmem:$0x2750] =	vst v2;
	v2 =	vshrl.u32 v3, $0x10  }
0xca: {  	[tilespmem:$0x2840] =	vst v2  }
0xcb: {  	[tilespmem:s21], [sflag:$0x1] =	stream.indirect.gather [hbm4b:s1+s29], $0x80, s30, s29, $0xb8;
	[tilespmem:$0x1DEB8] =	vst v63  }
0xcc: {  	v2 =	vld [tilespmem:$0x50];
	_ =	sdelay $0x1  }
0xcd: {  	v3 =	vld [tilespmem:$0x60];
	_ =	sdelay $0x1  }
0xce: {  	v58 =	vld [tilespmem:$0x70]  }
0xcf: {  	v59 =	vand.u32 $0xFFFF, v2  }
0xd0: {  	v60 =	vld [tilespmem:$0x80];
	v2 =	vshrl.u32 v2, $0x10;
	[tilespmem:$0x2760] =	vst v59  }
0xd1: {  	[tilespmem:$0x2850] =	vst v2;
	v2 =	vand.u32 $0xFFFF, v3  }
0xd2: {  	[tilespmem:$0x2770] =	vst v2;
	v2 =	vshrl.u32 v3, $0x10;
	v3 =	vld [tilespmem:$0x90]  }
0xd3: {  	[tilespmem:$0x2860] =	vst v2;
	v2 =	vand.u32 $0xFFFF, v58  }
0xd4: {  	[tilespmem:$0x2780] =	vst v2;
	v2 =	vshrl.u32 v58, $0x10  }
0xd5: {  	[tilespmem:$0x2870] =	vst v2;
	v2 =	vand.u32 $0xFFFF, v60  }
0xd6: {  	[tilespmem:$0x2790] =	vst v2;
	v2 =	vshrl.u32 v60, $0x10  }
0xd7: {  	[tilespmem:$0x2880] =	vst v2;
	v2 =	vand.u32 $0xFFFF, v3  }
0xd8: {  	[tilespmem:$0x27A0] =	vst v2;
	v2 =	vshrl.u32 v3, $0x10  }
0xd9: {  	[tilespmem:$0x2890] =	vst v2  }
0xda: {  	[tilespmem:s0], [sflag:$0x2] =	stream.indirect.gather [hbm4b:s1+s29], $0x80, s31, s29, $0xb8;
	[tilespmem:$0x1DEB8] =	vst v63  }
0xdb: {  	v2 =	vld [tilespmem:$0xA0];
	_ =	sdelay $0x1  }
0xdc: {  	v3 =	vld [tilespmem:$0xB0];
	_ =	sdelay $0x1  }
0xdd: {  	v61 =	vld [tilespmem:$0xC0]  }
0xde: {  	v62 =	vand.u32 $0xFFFF, v2  }
0xdf: {  	v63 =	vld [tilespmem:$0xD0];
	v2 =	vshrl.u32 v2, $0x10;
	[tilespmem:$0x27B0] =	vst v62  }
0xe0: {  	[tilespmem:$0x28A0] =	vst v2;
	v2 =	vand.u32 $0xFFFF, v3  }
0xe1: {  	[tilespmem:$0x27C0] =	vst v2;
	v2 =	vshrl.u32 v3, $0x10;
	v3 =	vld [tilespmem:$0xE0]  }
0xe2: {  	[tilespmem:$0x28B0] =	vst v2;
	v2 =	vand.u32 $0xFFFF, v61  }
0xe3: {  	[tilespmem:$0x27D0] =	vst v2;
	v2 =	vshrl.u32 v61, $0x10  }
0xe4: {  	[tilespmem:$0x28C0] =	vst v2;
	v2 =	vand.u32 $0xFFFF, v63  }
0xe5: {  	[tilespmem:$0x27E0] =	vst v2;
	v2 =	vshrl.u32 v63, $0x10  }
0xe6: {  	[tilespmem:$0x28D0] =	vst v2;
	v2 =	vand.u32 $0xFFFF, v3  }
0xe7: {  	[tilespmem:$0x27F0] =	vst v2;
	v2 =	vshrl.u32 v3, $0x10  }
0xe8: {  	[tilespmem:$0x28E0] =	vst v2  }
0xe9: {  	[tilespmem:s22], [sflag:$0x3] =	stream.indirect.gather [hbm4b:s1+s29], $0x80, s4, s29, $0xb8;
	[tilespmem:$0x1DEB8] =	vst v63  }
0xea: {  	s16 =	simm.s32 $0x740;
	[bflag:$0x0] =	sbarrier.arrive $0xFFFF  }
.LBB2_4:
0xeb: {  	_ =	swait.ge [sflag:s26], $0x2800  }
0xec: {  	[sflag:s26] =	ssyncset.done $0x0  }
0xed: {  	[sflag:s26] =	ssyncadd.s32 $0xFFFFD800  }
0xee: {  	[spmem:s2] =	stream.indirect.scatter.add.f32 [tilespmem:s21], [sflag:$0x4], $0x80, s5, s29, $0xb8;
	[tilespmem:$0x1DEB8] =	vst v63  }
0xef: {  	_ = 	snop  }
0xf0: {  	[spmem:s3] =	stream.indirect.scatter.add.f32 [tilespmem:s6], [sflag:$0x4], $0x1, s5, s29, $0xb8;
	[tilespmem:$0x1DEB8] =	vst v63  }
0xf1: {  	_ =	swait.ge [sflag:s8], $0x2800  }
0xf2: {  	[sflag:s8] =	ssyncset.done $0x0  }
0xf3: {  	[sflag:s8] =	ssyncadd.s32 $0xFFFFD800  }
0xf4: {  	[spmem:s2] =	stream.indirect.scatter.add.f32 [tilespmem:s0], [sflag:$0x5], $0x80, s9, s29, $0xb8;
	[tilespmem:$0x1DEB8] =	vst v63  }
0xf5: {  	_ = 	snop  }
0xf6: {  	[spmem:s3] =	stream.indirect.scatter.add.f32 [tilespmem:s6], [sflag:$0x5], $0x1, s9, s29, $0xb8;
	[tilespmem:$0x1DEB8] =	vst v63  }
0xf7: {  	_ =	swait.ge [sflag:s10], $0x2800  }
0xf8: {  	[sflag:s10] =	ssyncset.done $0x0  }
0xf9: {  	[sflag:s10] =	ssyncadd.s32 $0xFFFFD800  }
0xfa: {  	[spmem:s2] =	stream.indirect.scatter.add.f32 [tilespmem:s22], [sflag:$0x6], $0x80, s11, s29, $0xb8;
	[tilespmem:$0x1DEB8] =	vst v63  }
0xfb: {  	_ = 	snop  }
0xfc: {  	[spmem:s3] =	stream.indirect.scatter.add.f32 [tilespmem:s6], [sflag:$0x6], $0x1, s11, s29, $0xb8;
	[tilespmem:$0x1DEB8] =	vst v63  }
0xfd: {  	_ =	swait.ge [sflag:s12], $0x2800  }
0xfe: {  	[sflag:s12] =	ssyncset.done $0x0  }
0xff: {  	[sflag:s12] =	ssyncadd.s32 $0xFFFFD800  }
0x100: {  	_ =	swait.ge [sflag:s12], $0x50  }
0x101: {  	[sflag:s12] =	ssyncset.done $0x0  }
0x102: {  	s17 =	sshra.s32 s16, $0x2;
	[sflag:s12] =	ssyncadd.s32 $0xFFFFFFB0  }
0x103: {  	v2 =	vld [tilespmem:s17+$0xFFFFFF20];
	_ =	sdelay $0x4  }
0x104: {  	v3 =	vand.u32 $0xFFFF, v2  }
0x105: {  	v2 =	vshrl.u32 v2, $0x10;
	[tilespmem:$0x2710] =	vst v3  }
0x106: {  	[tilespmem:$0x2800] =	vst v2  }
0x107: {  	v2 =	vld [tilespmem:s17+$0xFFFFFF30];
	_ =	sdelay $0x4  }
0x108: {  	v3 =	vand.u32 $0xFFFF, v2  }
0x109: {  	v2 =	vshrl.u32 v2, $0x10;
	[tilespmem:$0x2720] =	vst v3  }
0x10a: {  	[tilespmem:$0x2810] =	vst v2  }
0x10b: {  	v2 =	vld [tilespmem:s17+$0xFFFFFF40];
	_ =	sdelay $0x4  }
0x10c: {  	v3 =	vand.u32 $0xFFFF, v2  }
0x10d: {  	v2 =	vshrl.u32 v2, $0x10;
	[tilespmem:$0x2730] =	vst v3  }
0x10e: {  	[tilespmem:$0x2820] =	vst v2  }
0x10f: {  	v2 =	vld [tilespmem:s17+$0xFFFFFF50];
	_ =	sdelay $0x4  }
0x110: {  	v3 =	vand.u32 $0xFFFF, v2  }
0x111: {  	v2 =	vshrl.u32 v2, $0x10;
	[tilespmem:$0x2740] =	vst v3  }
0x112: {  	[tilespmem:$0x2830] =	vst v2  }
0x113: {  	v2 =	vld [tilespmem:s17+$0xFFFFFF60];
	_ =	sdelay $0x4  }
0x114: {  	v3 =	vand.u32 $0xFFFF, v2  }
0x115: {  	v2 =	vshrl.u32 v2, $0x10;
	[tilespmem:$0x2750] =	vst v3  }
0x116: {  	[tilespmem:$0x2840] =	vst v2  }
0x117: {  	[tilespmem:s21], [sflag:$0x1] =	stream.indirect.gather [hbm4b:s1+s29], $0x80, s30, s29, $0xb8;
	[tilespmem:$0x1DEB8] =	vst v63  }
0x118: {  	_ =	swait.ge [sflag:s13], $0x2800  }
0x119: {  	[sflag:s13] =	ssyncset.done $0x0  }
0x11a: {  	[sflag:s13] =	ssyncadd.s32 $0xFFFFD800  }
0x11b: {  	_ =	swait.ge [sflag:s13], $0x50  }
0x11c: {  	[sflag:s13] =	ssyncset.done $0x0  }
0x11d: {  	[sflag:s13] =	ssyncadd.s32 $0xFFFFFFB0  }
0x11e: {  	v2 =	vld [tilespmem:s17+$0xFFFFFF70];
	_ =	sdelay $0x4  }
0x11f: {  	v3 =	vand.u32 $0xFFFF, v2  }
0x120: {  	v2 =	vshrl.u32 v2, $0x10;
	[tilespmem:$0x2760] =	vst v3  }
0x121: {  	[tilespmem:$0x2850] =	vst v2  }
0x122: {  	v2 =	vld [tilespmem:s17+$0xFFFFFF80];
	_ =	sdelay $0x4  }
0x123: {  	v3 =	vand.u32 $0xFFFF, v2  }
0x124: {  	v2 =	vshrl.u32 v2, $0x10;
	[tilespmem:$0x2770] =	vst v3  }
0x125: {  	[tilespmem:$0x2860] =	vst v2  }
0x126: {  	v2 =	vld [tilespmem:s17+$0xFFFFFF90];
	_ =	sdelay $0x4  }
0x127: {  	v3 =	vand.u32 $0xFFFF, v2  }
0x128: {  	v2 =	vshrl.u32 v2, $0x10;
	[tilespmem:$0x2780] =	vst v3  }
0x129: {  	[tilespmem:$0x2870] =	vst v2  }
0x12a: {  	v2 =	vld [tilespmem:s17+$0xFFFFFFA0];
	_ =	sdelay $0x4  }
0x12b: {  	v3 =	vand.u32 $0xFFFF, v2  }
0x12c: {  	v2 =	vshrl.u32 v2, $0x10;
	[tilespmem:$0x2790] =	vst v3  }
0x12d: {  	[tilespmem:$0x2880] =	vst v2  }
0x12e: {  	v2 =	vld [tilespmem:s17+$0xFFFFFFB0];
	_ =	sdelay $0x4  }
0x12f: {  	v3 =	vand.u32 $0xFFFF, v2  }
0x130: {  	v2 =	vshrl.u32 v2, $0x10;
	[tilespmem:$0x27A0] =	vst v3  }
0x131: {  	[tilespmem:$0x2890] =	vst v2  }
0x132: {  	[tilespmem:s0], [sflag:$0x2] =	stream.indirect.gather [hbm4b:s1+s29], $0x80, s31, s29, $0xb8;
	[tilespmem:$0x1DEB8] =	vst v63  }
0x133: {  	p3 =	seq.s32 s16, $0x9D40;
	_ =	swait.ge [sflag:s14], $0x2800  }
.Ltmp3:
0x134: {  	[sflag:s14] =	ssyncset.done $0x0;
	(pc) =	sbr.rel @p3 .LBB2_6-.Ltmp3, $4  }
0x135: {  	[sflag:s14] =	ssyncadd.s32 $0xFFFFD800  }
0x136: {  	_ =	swait.ge [sflag:s14], $0x50  }
0x137: {  	[sflag:s14] =	ssyncset.done $0x0  }
0x138: {  	[sflag:s14] =	ssyncadd.s32 $0xFFFFFFB0  }
0x139: {  	v2 =	vld [tilespmem:s17+$0xFFFFFFC0];
	_ =	sdelay $0x4  }
0x13a: {  	v3 =	vand.u32 $0xFFFF, v2  }
0x13b: {  	v2 =	vshrl.u32 v2, $0x10;
	[tilespmem:$0x27B0] =	vst v3  }
0x13c: {  	[tilespmem:$0x28A0] =	vst v2  }
0x13d: {  	v2 =	vld [tilespmem:s17+$0xFFFFFFD0];
	_ =	sdelay $0x4  }
0x13e: {  	v3 =	vand.u32 $0xFFFF, v2  }
0x13f: {  	v2 =	vshrl.u32 v2, $0x10;
	[tilespmem:$0x27C0] =	vst v3  }
0x140: {  	[tilespmem:$0x28B0] =	vst v2  }
0x141: {  	v2 =	vld [tilespmem:s17+$0xFFFFFFE0];
	_ =	sdelay $0x4  }
0x142: {  	v3 =	vand.u32 $0xFFFF, v2  }
0x143: {  	v2 =	vshrl.u32 v2, $0x10;
	[tilespmem:$0x27D0] =	vst v3  }
0x144: {  	[tilespmem:$0x28C0] =	vst v2  }
0x145: {  	v2 =	vld [tilespmem:s17+$0xFFFFFFF0];
	_ =	sdelay $0x4  }
0x146: {  	v3 =	vand.u32 $0xFFFF, v2  }
0x147: {  	v2 =	vshrl.u32 v2, $0x10;
	[tilespmem:$0x27E0] =	vst v3  }
0x148: {  	[tilespmem:$0x28D0] =	vst v2  }
0x149: {  	v2 =	vld [tilespmem:s17+$0x0];
	_ =	sdelay $0x3  }
.Ltmp4:
0x14a: {  	_ = 	snop;
	(pc) =	sbr.rel .LBB2_4-.Ltmp4, $4  }
0x14b: {  	v3 =	vand.u32 $0xFFFF, v2  }
0x14c: {  	v2 =	vshrl.u32 v2, $0x10;
	[tilespmem:$0x27F0] =	vst v3  }
0x14d: {  	s16 =	sadd.s32 $0x3C0, s16;
	[tilespmem:$0x28E0] =	vst v2  }
0x14e: {  	[tilespmem:s22], [sflag:$0x3] =	stream.indirect.gather [hbm4b:s1+s29], $0x80, s4, s29, $0xb8;
	[tilespmem:$0x1DEB8] =	vst v63  }
.LBB2_7:
0x14f: {  	_ =	sfence.sel $0x180000  }
0x150: {  	[bflag:$0x0] =	sbarrier.arrive $0xFFFF  }
0x151: {  	_ =	strace $0x90000047  }
0x152: {  	s0 =	stileid.u32;
	[bflag:$0x2] =	sbarrier.arrive $0xFFFF  }
0x153: {  	p0 =	sne.s32 s0, $0x0;
	s0 =	rddreg [dreg:$0x5]  }
0x154: {  	s0 =	sadd.s32 @!p0 $0x100000, s0  }
0x155: {  	[sflag:s0] =	ssyncadd.tile.s32 @!p0 $0x1;
	_ =	shalt  }
.Lfunc_end2:
_tile_overlayer_lowered:
.L_overlay_start_2:
0x156: {  	(tag) =	ssettag $0x2  }
0x157: {  	s0 =	rddreg [dreg:$0x0];
	s2 =	stileid.u32  }
0x158: {  	s1 =	rddreg [dreg:$0x1];
	p0 =	sne.s32 s2, $0x0  }
0x159: {  	s3 =	rddreg [dreg:$0x2];
	[bflag:$0x3] =	sbarrier.arrive $0xFFFF;
	s2 =	simm.s32 @!p0 $0x1C08  }
0x15a: {  	[timem:s3], [sflag:s2] =	dma.local @!p0 [hbm:s0], s1  }
0x15b: {  	s0 =	simm.s32 @!p0 $0x8  }
0x15c: {  	_ =	swait.ge @!p0 [sflag:s0], s1  }
0x15d: {  	s1 =	ssub.s32 @!p0 $0x0, s1;
	[sflag:s0] =	ssyncset.done @!p0 $0x0  }
0x15e: {  	[sflag:s0] =	ssyncadd.s32 @!p0 s1  }
0x15f: {  	[bflag:$0x3] =	sbarrier.arrive $0xFFFF  }
0x160: {  	_ =	shalt  }

</sc_bundles>
